<compile_context>
chip_gen: v7x
topology: tpu7x:2x2x1
jax: 0.10.2.dev20260603
libtpu: 0.0.44.dev20260713+nightly
codegen_flags: <defaults>
</compile_context>

<pallas_src>
import functools

import jax
import jax.numpy as jnp
from jax import lax
from jax.experimental import pallas as pl
from jax.experimental.pallas import tpu as pltpu
from jax.experimental.pallas import tpu_sc as plsc

_CHUNK = 64


@functools.lru_cache(maxsize=None)
def _make_gather(V, D, B):
    info = plsc.get_sparse_core_info()
    NC, NS = info.num_cores, info.num_subcores
    NW = NC * NS
    assert B % (8 * NW) == 0 and V % 8 == 0
    b_per_w = B // NW
    ch = min(_CHUNK, b_per_w)
    n_ch = b_per_w // ch
    assert b_per_w % ch == 0
    mesh = plsc.VectorSubcoreMesh(core_axis_name="c", subcore_axis_name="s")

    @functools.partial(
        pl.kernel,
        mesh=mesh,
        out_type=jax.ShapeDtypeStruct((B, D), jnp.float32),
        scratch_types=[
            pltpu.VMEM((b_per_w,), jnp.int32),
            pltpu.VMEM((b_per_w, D), jnp.float32),
            pltpu.SemaphoreType.DMA,
        ],
    )
    def gather(table3_hbm, ids_hbm, out_hbm, idx_v, out_v, sem):
        wid = lax.axis_index("s") * NC + lax.axis_index("c")
        base = wid * b_per_w
        pltpu.sync_copy(ids_hbm.at[pl.ds(base, b_per_w)], idx_v)

        def fire(g, carry):
            vec = idx_v[pl.ds(g * 16, 16)]
            for l in range(16):
                sid = vec[l]
                t = lax.shift_right_logical(sid, 3)
                s = sid & 7
                pltpu.make_async_copy(
                    table3_hbm.at[t, s], out_v.at[g * 16 + l], sem
                ).start()
            return carry

        lax.fori_loop(0, b_per_w // 16, fire, 0)
        pltpu.make_async_copy(
            table3_hbm.reshape(V, D).at[pl.ds(0, b_per_w)], out_v, sem
        ).wait()
        pltpu.sync_copy(out_v, out_hbm.at[pl.ds(base, b_per_w)])

    return gather


def _mm_body(scale_ref, h_ref, w_ref, o_ref):
    acc = lax.dot_general(
        h_ref[...],
        w_ref[...],
        (((1,), (1,)), ((), ())),
        preferred_element_type=jnp.float32,
    )
    o_ref[...] = acc * scale_ref[0]


@functools.lru_cache(maxsize=None)
def _make_matmul(B, D, MD, blk):
    return pl.pallas_call(
        _mm_body,
        grid=(B // blk,),
        in_specs=[
            pl.BlockSpec(memory_space=pltpu.SMEM),
            pl.BlockSpec((blk, D), lambda i: (i, 0)),
            pl.BlockSpec((MD, D), lambda i: (0, 0)),
        ],
        out_specs=pl.BlockSpec((blk, MD), lambda i: (i, 0)),
        out_shape=jax.ShapeDtypeStruct((B, MD), jnp.float32),
    )


def kernel(ids, embed_weight, proj_weight, scale):
    B = ids.shape[0]
    V, D = embed_weight.shape
    MD = proj_weight.shape[0]
    ids = ids.astype(jnp.int32)
    table3 = embed_weight.reshape(V // 8, 8, D)
    h = _make_gather(V, D, B)(table3, ids)
    mm = _make_matmul(B, D, MD, 2048)
    return mm(scale.reshape(1).astype(jnp.float32), h, proj_weight)

# --- scband reference (transcript-rebuilt; emitter-appended) ---
"""Pipeline reference for scband-ve-50946902065539 (READ-ONLY COPY).

The authoritative reference and input builder live on the scoring server;
editing this copy changes nothing except your own understanding.
"""

import jax, jax.numpy as jnp
import numpy as np

VS = 1000000
VD = 64
MD = 1024
B = 16384

def setup_inputs(seed: int = 0) -> dict:
    key = jax.random.key(seed)
    k1, k2, k3 = jax.random.split(key, 3)
    ids = jax.random.randint(k1, (B,), 0, VS, dtype=jnp.int64) if jax.config.jax_enable_x64 else jax.random.randint(k1, (B,), 0, VS, dtype=jnp.int32)
    embed_weight = jax.random.normal(k2, (VS, VD), dtype=jnp.float32) * 0.01
    # torch Linear weight shape [out_features, in_features] = [MD, VD]
    # (module inits proj weight to zeros; we use small random values so the
    #  reference output/grads are non-degenerate)
    proj_weight = jax.random.normal(k3, (MD, VD), dtype=jnp.float32) * 0.02
    scale = jnp.asarray(0.1, dtype=jnp.float32)
    return {"ids": ids, "embed_weight": embed_weight, "proj_weight": proj_weight, "scale": scale}

def reference(ids, embed_weight, proj_weight, scale):
    h = jnp.take(embed_weight, ids, axis=0)          # gather: [B, VD]
    h = h @ proj_weight.T                             # CastedLinear, bias=False: [B, MD]
    return h * scale.astype(h.dtype)

if __name__ == "__main__":
    import jax
    _d = setup_inputs()
    print(jax.jit(kernel)(*tuple(_d.values())))

</pallas_src>

<mosaic_0001>
#map = affine_map<(d0, d1) -> (0, 0, 0)>
#map1 = affine_map<(d0, d1) -> (0)>
#map2 = affine_map<(d0, d1) -> (0, 0)>
module attributes {stable_mosaic.version = 14 : i64} {
  func.func @gather(%arg0: i32, %arg1: i32, %arg2: memref<125000x8x64xf32, #tpu.memory_space<hbm>>, %arg3: memref<16384xi32, #tpu.memory_space<hbm>>, %arg4: memref<16384x64xf32, #tpu.memory_space<hbm>>, %arg5: memref<512xi32, #tpu.memory_space<vmem>>, %arg6: memref<512x64xf32, #tpu.memory_space<vmem>>, %arg7: memref<!tpu.dma_semaphore, #tpu.memory_space<semaphore_mem>>) attributes {dimension_semantics = [#tpu.dimension_semantics<core_parallel>, #tpu.dimension_semantics<subcore_parallel>], iteration_bounds = array<i64: 2, 16>, scalar_prefetch = 0 : i64, scratch_operands = 3 : i64, tpu.core_type = #tpu.core_type<sc_vector_subcore>, window_params = [{transform_indices = #map}, {transform_indices = #map1}, {transform_indices = #map2}]} {
    %mul3A = arith.constant 2 : i32
    %mul3A_0 = arith.muli %arg1, %mul3A : i32
    %add3A = arith.addi %mul3A_0, %arg0 : i32
    %mul3A_1 = arith.constant 512 : i32
    %mul3A_2 = arith.muli %add3A, %mul3A_1 : i32
    "tpu.region"() ({
      %run_scoped3A = tpu.sem_alloc : memref<!tpu.dma_semaphore, #tpu.memory_space<semaphore_mem>>
      %dma_start3A = tpu.memref_slice %arg3[%mul3A_2] : memref<16384xi32, #tpu.memory_space<hbm>> -> memref<512xi32, #tpu.memory_space<hbm>>
      %dma_start3A_15 = tpu.memref_slice %arg3[%mul3A_2] : memref<16384xi32, #tpu.memory_space<hbm>> -> memref<512xi32, #tpu.memory_space<hbm>>
      tpu.enqueue_dma source(%dma_start3A_15 : memref<512xi32, #tpu.memory_space<hbm>>) target(%arg5 : memref<512xi32, #tpu.memory_space<vmem>>) target_semaphore(%run_scoped3A : memref<!tpu.dma_semaphore, #tpu.memory_space<semaphore_mem>>)
      %dma_wait3A_16 = tpu.memref_slice %arg3[%mul3A_2] : memref<16384xi32, #tpu.memory_space<hbm>> -> memref<512xi32, #tpu.memory_space<hbm>>
      %dma_wait3A_17 = tpu.memref_slice %arg3[%mul3A_2] : memref<16384xi32, #tpu.memory_space<hbm>> -> memref<512xi32, #tpu.memory_space<hbm>>
      tpu.wait_dma2 semaphore(%run_scoped3A : memref<!tpu.dma_semaphore, #tpu.memory_space<semaphore_mem>>) src(%dma_wait3A_17 : memref<512xi32, #tpu.memory_space<hbm>>) dst(%arg5 : memref<512xi32, #tpu.memory_space<vmem>>)
      tpu.yield
    }) : () -> ()
    %scan3A = arith.constant 0 : i32
    %scan3A_3 = arith.constant 0 : i32
    %scan3A_4 = arith.constant 32 : i32
    %scan3A_5 = arith.addi %scan3A_3, %scan3A_4 : i32
    %scan3A_6 = arith.constant 1 : i32
    scf.for %scan3A_15 = %scan3A_3 to %scan3A_5 step %scan3A_6  : i32 {
      %mul3A_16 = arith.constant 16 : i32
      %mul3A_17 = arith.muli %scan3A_15, %mul3A_16 : i32
      %get3A = arith.index_cast %mul3A_17 : i32 to index
      %get3A_18 = tpu.vector_load %arg5[%get3A] {strides = array<i32>} : memref<512xi32, #tpu.memory_space<vmem>>, vector<16xi32>,
      %get3A_19 = vector.shape_cast %get3A_18 : vector<16xi32> to vector<16xi32>
      %slice3A = vector.extract_strided_slice %get3A_19 {offsets = [0], sizes = [1], strides = [1]} : vector<16xi32> to vector<1xi32>
      %squeeze3A = vector.extract %slice3A[0] : i32 from vector<1xi32>
      %shift_right_logical3A = arith.constant 3 : i32
      %shift_right_logical3A_20 = arith.shrui %squeeze3A, %shift_right_logical3A : i32
      %and3A = arith.constant 7 : i32
      %and3A_21 = arith.andi %squeeze3A, %and3A : i32
      %mul3A_22 = arith.constant 16 : i32
      %mul3A_23 = arith.muli %scan3A_15, %mul3A_22 : i32
      %add3A_24 = arith.constant 0 : i32
      %add3A_25 = arith.addi %mul3A_23, %add3A_24 : i32
      %dma_start3A = arith.constant 0 : i32
      %dma_start3A_26 = tpu.memref_slice %arg6[%add3A_25, %dma_start3A] : memref<512x64xf32, #tpu.memory_space<vmem>> -> memref<1x64xf32, #tpu.memory_space<vmem>>
      %dma_start3A_27 = tpu.memref_squeeze %dma_start3A_26 : memref<1x64xf32, #tpu.memory_space<vmem>> -> memref<64xf32, #tpu.memory_space<vmem>>
      %dma_start3A_28 = arith.constant 0 : i32
      %dma_start3A_29 = tpu.memref_slice %arg2[%shift_right_logical3A_20, %and3A_21, %dma_start3A_28] : memref<125000x8x64xf32, #tpu.memory_space<hbm>> -> memref<1x1x64xf32, #tpu.memory_space<hbm>>
      %dma_start3A_30 = tpu.memref_squeeze %dma_start3A_29 : memref<1x1x64xf32, #tpu.memory_space<hbm>> -> memref<64xf32, #tpu.memory_space<hbm>>
      %dma_start3A_31 = arith.constant 0 : i32
      %dma_start3A_32 = tpu.memref_slice %arg6[%add3A_25, %dma_start3A_31] : memref<512x64xf32, #tpu.memory_space<vmem>> -> memref<1x64xf32, #tpu.memory_space<vmem>>
      %dma_start3A_33 = tpu.memref_squeeze %dma_start3A_32 : memref<1x64xf32, #tpu.memory_space<vmem>> -> memref<64xf32, #tpu.memory_space<vmem>>
      %dma_start3A_34 = arith.constant 0 : i32
      %dma_start3A_35 = tpu.memref_slice %arg2[%shift_right_logical3A_20, %and3A_21, %dma_start3A_34] : memref<125000x8x64xf32, #tpu.memory_space<hbm>> -> memref<1x1x64xf32, #tpu.memory_space<hbm>>
      %dma_start3A_36 = tpu.memref_squeeze %dma_start3A_35 : memref<1x1x64xf32, #tpu.memory_space<hbm>> -> memref<64xf32, #tpu.memory_space<hbm>>
      tpu.enqueue_dma source(%dma_start3A_36 : memref<64xf32, #tpu.memory_space<hbm>>) target(%dma_start3A_33 : memref<64xf32, #tpu.memory_space<vmem>>) target_semaphore(%arg7 : memref<!tpu.dma_semaphore, #tpu.memory_space<semaphore_mem>>)
      %slice3A_37 = vector.extract_strided_slice %get3A_19 {offsets = [1], sizes = [1], strides = [1]} : vector<16xi32> to vector<1xi32>
      %squeeze3A_38 = vector.extract %slice3A_37[0] : i32 from vector<1xi32>
      %shift_right_logical3A_39 = arith.constant 3 : i32
      %shift_right_logical3A_40 = arith.shrui %squeeze3A_38, %shift_right_logical3A_39 : i32
      %and3A_41 = arith.constant 7 : i32
      %and3A_42 = arith.andi %squeeze3A_38, %and3A_41 : i32
      %mul3A_43 = arith.constant 16 : i32
      %mul3A_44 = arith.muli %scan3A_15, %mul3A_43 : i32
      %add3A_45 = arith.constant 1 : i32
      %add3A_46 = arith.addi %mul3A_44, %add3A_45 : i32
      %dma_start3A_47 = arith.constant 0 : i32
      %dma_start3A_48 = tpu.memref_slice %arg6[%add3A_46, %dma_start3A_47] : memref<512x64xf32, #tpu.memory_space<vmem>> -> memref<1x64xf32, #tpu.memory_space<vmem>>
      %dma_start3A_49 = tpu.memref_squeeze %dma_start3A_48 : memref<1x64xf32, #tpu.memory_space<vmem>> -> memref<64xf32, #tpu.memory_space<vmem>>
      %dma_start3A_50 = arith.constant 0 : i32
      %dma_start3A_51 = tpu.memref_slice %arg2[%shift_right_logical3A_40, %and3A_42, %dma_start3A_50] : memref<125000x8x64xf32, #tpu.memory_space<hbm>> -> memref<1x1x64xf32, #tpu.memory_space<hbm>>
      %dma_start3A_52 = tpu.memref_squeeze %dma_start3A_51 : memref<1x1x64xf32, #tpu.memory_space<hbm>> -> memref<64xf32, #tpu.memory_space<hbm>>
      %dma_start3A_53 = arith.constant 0 : i32
      %dma_start3A_54 = tpu.memref_slice %arg6[%add3A_46, %dma_start3A_53] : memref<512x64xf32, #tpu.memory_space<vmem>> -> memref<1x64xf32, #tpu.memory_space<vmem>>
      %dma_start3A_55 = tpu.memref_squeeze %dma_start3A_54 : memref<1x64xf32, #tpu.memory_space<vmem>> -> memref<64xf32, #tpu.memory_space<vmem>>
      %dma_start3A_56 = arith.constant 0 : i32
      %dma_start3A_57 = tpu.memref_slice %arg2[%shift_right_logical3A_40, %and3A_42, %dma_start3A_56] : memref<125000x8x64xf32, #tpu.memory_space<hbm>> -> memref<1x1x64xf32, #tpu.memory_space<hbm>>
      %dma_start3A_58 = tpu.memref_squeeze %dma_start3A_57 : memref<1x1x64xf32, #tpu.memory_space<hbm>> -> memref<64xf32, #tpu.memory_space<hbm>>
      tpu.enqueue_dma source(%dma_start3A_58 : memref<64xf32, #tpu.memory_space<hbm>>) target(%dma_start3A_55 : memref<64xf32, #tpu.memory_space<vmem>>) target_semaphore(%arg7 : memref<!tpu.dma_semaphore, #tpu.memory_space<semaphore_mem>>)
      %slice3A_59 = vector.extract_strided_slice %get3A_19 {offsets = [2], sizes = [1], strides = [1]} : vector<16xi32> to vector<1xi32>
      %squeeze3A_60 = vector.extract %slice3A_59[0] : i32 from vector<1xi32>
      %shift_right_logical3A_61 = arith.constant 3 : i32
      %shift_right_logical3A_62 = arith.shrui %squeeze3A_60, %shift_right_logical3A_61 : i32
      %and3A_63 = arith.constant 7 : i32
      %and3A_64 = arith.andi %squeeze3A_60, %and3A_63 : i32
      %mul3A_65 = arith.constant 16 : i32
      %mul3A_66 = arith.muli %scan3A_15, %mul3A_65 : i32
      %add3A_67 = arith.constant 2 : i32
      %add3A_68 = arith.addi %mul3A_66, %add3A_67 : i32
      %dma_start3A_69 = arith.constant 0 : i32
      %dma_start3A_70 = tpu.memref_slice %arg6[%add3A_68, %dma_start3A_69] : memref<512x64xf32, #tpu.memory_space<vmem>> -> memref<1x64xf32, #tpu.memory_space<vmem>>
      %dma_start3A_71 = tpu.memref_squeeze %dma_start3A_70 : memref<1x64xf32, #tpu.memory_space<vmem>> -> memref<64xf32, #tpu.memory_space<vmem>>
      %dma_start3A_72 = arith.constant 0 : i32
      %dma_start3A_73 = tpu.memref_slice %arg2[%shift_right_logical3A_62, %and3A_64, %dma_start3A_72] : memref<125000x8x64xf32, #tpu.memory_space<hbm>> -> memref<1x1x64xf32, #tpu.memory_space<hbm>>
      %dma_start3A_74 = tpu.memref_squeeze %dma_start3A_73 : memref<1x1x64xf32, #tpu.memory_space<hbm>> -> memref<64xf32, #tpu.memory_space<hbm>>
      %dma_start3A_75 = arith.constant 0 : i32
      %dma_start3A_76 = tpu.memref_slice %arg6[%add3A_68, %dma_start3A_75] : memref<512x64xf32, #tpu.memory_space<vmem>> -> memref<1x64xf32, #tpu.memory_space<vmem>>
      %dma_start3A_77 = tpu.memref_squeeze %dma_start3A_76 : memref<1x64xf32, #tpu.memory_space<vmem>> -> memref<64xf32, #tpu.memory_space<vmem>>
      %dma_start3A_78 = arith.constant 0 : i32
      %dma_start3A_79 = tpu.memref_slice %arg2[%shift_right_logical3A_62, %and3A_64, %dma_start3A_78] : memref<125000x8x64xf32, #tpu.memory_space<hbm>> -> memref<1x1x64xf32, #tpu.memory_space<hbm>>
      %dma_start3A_80 = tpu.memref_squeeze %dma_start3A_79 : memref<1x1x64xf32, #tpu.memory_space<hbm>> -> memref<64xf32, #tpu.memory_space<hbm>>
      tpu.enqueue_dma source(%dma_start3A_80 : memref<64xf32, #tpu.memory_space<hbm>>) target(%dma_start3A_77 : memref<64xf32, #tpu.memory_space<vmem>>) target_semaphore(%arg7 : memref<!tpu.dma_semaphore, #tpu.memory_space<semaphore_mem>>)
      %slice3A_81 = vector.extract_strided_slice %get3A_19 {offsets = [3], sizes = [1], strides = [1]} : vector<16xi32> to vector<1xi32>
      %squeeze3A_82 = vector.extract %slice3A_81[0] : i32 from vector<1xi32>
      %shift_right_logical3A_83 = arith.constant 3 : i32
      %shift_right_logical3A_84 = arith.shrui %squeeze3A_82, %shift_right_logical3A_83 : i32
      %and3A_85 = arith.constant 7 : i32
      %and3A_86 = arith.andi %squeeze3A_82, %and3A_85 : i32
      %mul3A_87 = arith.constant 16 : i32
      %mul3A_88 = arith.muli %scan3A_15, %mul3A_87 : i32
      %add3A_89 = arith.constant 3 : i32
      %add3A_90 = arith.addi %mul3A_88, %add3A_89 : i32
      %dma_start3A_91 = arith.constant 0 : i32
      %dma_start3A_92 = tpu.memref_slice %arg6[%add3A_90, %dma_start3A_91] : memref<512x64xf32, #tpu.memory_space<vmem>> -> memref<1x64xf32, #tpu.memory_space<vmem>>
      %dma_start3A_93 = tpu.memref_squeeze %dma_start3A_92 : memref<1x64xf32, #tpu.memory_space<vmem>> -> memref<64xf32, #tpu.memory_space<vmem>>
      %dma_start3A_94 = arith.constant 0 : i32
      %dma_start3A_95 = tpu.memref_slice %arg2[%shift_right_logical3A_84, %and3A_86, %dma_start3A_94] : memref<125000x8x64xf32, #tpu.memory_space<hbm>> -> memref<1x1x64xf32, #tpu.memory_space<hbm>>
      %dma_start3A_96 = tpu.memref_squeeze %dma_start3A_95 : memref<1x1x64xf32, #tpu.memory_space<hbm>> -> memref<64xf32, #tpu.memory_space<hbm>>
      %dma_start3A_97 = arith.constant 0 : i32
      %dma_start3A_98 = tpu.memref_slice %arg6[%add3A_90, %dma_start3A_97] : memref<512x64xf32, #tpu.memory_space<vmem>> -> memref<1x64xf32, #tpu.memory_space<vmem>>
      %dma_start3A_99 = tpu.memref_squeeze %dma_start3A_98 : memref<1x64xf32, #tpu.memory_space<vmem>> -> memref<64xf32, #tpu.memory_space<vmem>>
      %dma_start3A_100 = arith.constant 0 : i32
      %dma_start3A_101 = tpu.memref_slice %arg2[%shift_right_logical3A_84, %and3A_86, %dma_start3A_100] : memref<125000x8x64xf32, #tpu.memory_space<hbm>> -> memref<1x1x64xf32, #tpu.memory_space<hbm>>
      %dma_start3A_102 = tpu.memref_squeeze %dma_start3A_101 : memref<1x1x64xf32, #tpu.memory_space<hbm>> -> memref<64xf32, #tpu.memory_space<hbm>>
      tpu.enqueue_dma source(%dma_start3A_102 : memref<64xf32, #tpu.memory_space<hbm>>) target(%dma_start3A_99 : memref<64xf32, #tpu.memory_space<vmem>>) target_semaphore(%arg7 : memref<!tpu.dma_semaphore, #tpu.memory_space<semaphore_mem>>)
      %slice3A_103 = vector.extract_strided_slice %get3A_19 {offsets = [4], sizes = [1], strides = [1]} : vector<16xi32> to vector<1xi32>
      %squeeze3A_104 = vector.extract %slice3A_103[0] : i32 from vector<1xi32>
      %shift_right_logical3A_105 = arith.constant 3 : i32
      %shift_right_logical3A_106 = arith.shrui %squeeze3A_104, %shift_right_logical3A_105 : i32
      %and3A_107 = arith.constant 7 : i32
      %and3A_108 = arith.andi %squeeze3A_104, %and3A_107 : i32
      %mul3A_109 = arith.constant 16 : i32
      %mul3A_110 = arith.muli %scan3A_15, %mul3A_109 : i32
      %add3A_111 = arith.constant 4 : i32
      %add3A_112 = arith.addi %mul3A_110, %add3A_111 : i32
      %dma_start3A_113 = arith.constant 0 : i32
      %dma_start3A_114 = tpu.memref_slice %arg6[%add3A_112, %dma_start3A_113] : memref<512x64xf32, #tpu.memory_space<vmem>> -> memref<1x64xf32, #tpu.memory_space<vmem>>
      %dma_start3A_115 = tpu.memref_squeeze %dma_start3A_114 : memref<1x64xf32, #tpu.memory_space<vmem>> -> memref<64xf32, #tpu.memory_space<vmem>>
      %dma_start3A_116 = arith.constant 0 : i32
      %dma_start3A_117 = tpu.memref_slice %arg2[%shift_right_logical3A_106, %and3A_108, %dma_start3A_116] : memref<125000x8x64xf32, #tpu.memory_space<hbm>> -> memref<1x1x64xf32, #tpu.memory_space<hbm>>
      %dma_start3A_118 = tpu.memref_squeeze %dma_start3A_117 : memref<1x1x64xf32, #tpu.memory_space<hbm>> -> memref<64xf32, #tpu.memory_space<hbm>>
      %dma_start3A_119 = arith.constant 0 : i32
      %dma_start3A_120 = tpu.memref_slice %arg6[%add3A_112, %dma_start3A_119] : memref<512x64xf32, #tpu.memory_space<vmem>> -> memref<1x64xf32, #tpu.memory_space<vmem>>
      %dma_start3A_121 = tpu.memref_squeeze %dma_start3A_120 : memref<1x64xf32, #tpu.memory_space<vmem>> -> memref<64xf32, #tpu.memory_space<vmem>>
      %dma_start3A_122 = arith.constant 0 : i32
      %dma_start3A_123 = tpu.memref_slice %arg2[%shift_right_logical3A_106, %and3A_108, %dma_start3A_122] : memref<125000x8x64xf32, #tpu.memory_space<hbm>> -> memref<1x1x64xf32, #tpu.memory_space<hbm>>
      %dma_start3A_124 = tpu.memref_squeeze %dma_start3A_123 : memref<1x1x64xf32, #tpu.memory_space<hbm>> -> memref<64xf32, #tpu.memory_space<hbm>>
      tpu.enqueue_dma source(%dma_start3A_124 : memref<64xf32, #tpu.memory_space<hbm>>) target(%dma_start3A_121 : memref<64xf32, #tpu.memory_space<vmem>>) target_semaphore(%arg7 : memref<!tpu.dma_semaphore, #tpu.memory_space<semaphore_mem>>)
      %slice3A_125 = vector.extract_strided_slice %get3A_19 {offsets = [5], sizes = [1], strides = [1]} : vector<16xi32> to vector<1xi32>
      %squeeze3A_126 = vector.extract %slice3A_125[0] : i32 from vector<1xi32>
      %shift_right_logical3A_127 = arith.constant 3 : i32
      %shift_right_logical3A_128 = arith.shrui %squeeze3A_126, %shift_right_logical3A_127 : i32
      %and3A_129 = arith.constant 7 : i32
      %and3A_130 = arith.andi %squeeze3A_126, %and3A_129 : i32
      %mul3A_131 = arith.constant 16 : i32
      %mul3A_132 = arith.muli %scan3A_15, %mul3A_131 : i32
      %add3A_133 = arith.constant 5 : i32
      %add3A_134 = arith.addi %mul3A_132, %add3A_133 : i32
      %dma_start3A_135 = arith.constant 0 : i32
      %dma_start3A_136 = tpu.memref_slice %arg6[%add3A_134, %dma_start3A_135] : memref<512x64xf32, #tpu.memory_space<vmem>> -> memref<1x64xf32, #tpu.memory_space<vmem>>
      %dma_start3A_137 = tpu.memref_squeeze %dma_start3A_136 : memref<1x64xf32, #tpu.memory_space<vmem>> -> memref<64xf32, #tpu.memory_space<vmem>>
      %dma_start3A_138 = arith.constant 0 : i32
      %dma_start3A_139 = tpu.memref_slice %arg2[%shift_right_logical3A_128, %and3A_130, %dma_start3A_138] : memref<125000x8x64xf32, #tpu.memory_space<hbm>> -> memref<1x1x64xf32, #tpu.memory_space<hbm>>
      %dma_start3A_140 = tpu.memref_squeeze %dma_start3A_139 : memref<1x1x64xf32, #tpu.memory_space<hbm>> -> memref<64xf32, #tpu.memory_space<hbm>>
      %dma_start3A_141 = arith.constant 0 : i32
      %dma_start3A_142 = tpu.memref_slice %arg6[%add3A_134, %dma_start3A_141] : memref<512x64xf32, #tpu.memory_space<vmem>> -> memref<1x64xf32, #tpu.memory_space<vmem>>
      %dma_start3A_143 = tpu.memref_squeeze %dma_start3A_142 : memref<1x64xf32, #tpu.memory_space<vmem>> -> memref<64xf32, #tpu.memory_space<vmem>>
      %dma_start3A_144 = arith.constant 0 : i32
      %dma_start3A_145 = tpu.memref_slice %arg2[%shift_right_logical3A_128, %and3A_130, %dma_start3A_144] : memref<125000x8x64xf32, #tpu.memory_space<hbm>> -> memref<1x1x64xf32, #tpu.memory_space<hbm>>
      %dma_start3A_146 = tpu.memref_squeeze %dma_start3A_145 : memref<1x1x64xf32, #tpu.memory_space<hbm>> -> memref<64xf32, #tpu.memory_space<hbm>>
      tpu.enqueue_dma source(%dma_start3A_146 : memref<64xf32, #tpu.memory_space<hbm>>) target(%dma_start3A_143 : memref<64xf32, #tpu.memory_space<vmem>>) target_semaphore(%arg7 : memref<!tpu.dma_semaphore, #tpu.memory_space<semaphore_mem>>)
      %slice3A_147 = vector.extract_strided_slice %get3A_19 {offsets = [6], sizes = [1], strides = [1]} : vector<16xi32> to vector<1xi32>
      %squeeze3A_148 = vector.extract %slice3A_147[0] : i32 from vector<1xi32>
      %shift_right_logical3A_149 = arith.constant 3 : i32
      %shift_right_logical3A_150 = arith.shrui %squeeze3A_148, %shift_right_logical3A_149 : i32
      %and3A_151 = arith.constant 7 : i32
      %and3A_152 = arith.andi %squeeze3A_148, %and3A_151 : i32
      %mul3A_153 = arith.constant 16 : i32
      %mul3A_154 = arith.muli %scan3A_15, %mul3A_153 : i32
      %add3A_155 = arith.constant 6 : i32
      %add3A_156 = arith.addi %mul3A_154, %add3A_155 : i32
      %dma_start3A_157 = arith.constant 0 : i32
      %dma_start3A_158 = tpu.memref_slice %arg6[%add3A_156, %dma_start3A_157] : memref<512x64xf32, #tpu.memory_space<vmem>> -> memref<1x64xf32, #tpu.memory_space<vmem>>
      %dma_start3A_159 = tpu.memref_squeeze %dma_start3A_158 : memref<1x64xf32, #tpu.memory_space<vmem>> -> memref<64xf32, #tpu.memory_space<vmem>>
      %dma_start3A_160 = arith.constant 0 : i32
      %dma_start3A_161 = tpu.memref_slice %arg2[%shift_right_logical3A_150, %and3A_152, %dma_start3A_160] : memref<125000x8x64xf32, #tpu.memory_space<hbm>> -> memref<1x1x64xf32, #tpu.memory_space<hbm>>
      %dma_start3A_162 = tpu.memref_squeeze %dma_start3A_161 : memref<1x1x64xf32, #tpu.memory_space<hbm>> -> memref<64xf32, #tpu.memory_space<hbm>>
      %dma_start3A_163 = arith.constant 0 : i32
      %dma_start3A_164 = tpu.memref_slice %arg6[%add3A_156, %dma_start3A_163] : memref<512x64xf32, #tpu.memory_space<vmem>> -> memref<1x64xf32, #tpu.memory_space<vmem>>
      %dma_start3A_165 = tpu.memref_squeeze %dma_start3A_164 : memref<1x64xf32, #tpu.memory_space<vmem>> -> memref<64xf32, #tpu.memory_space<vmem>>
      %dma_start3A_166 = arith.constant 0 : i32
      %dma_start3A_167 = tpu.memref_slice %arg2[%shift_right_logical3A_150, %and3A_152, %dma_start3A_166] : memref<125000x8x64xf32, #tpu.memory_space<hbm>> -> memref<1x1x64xf32, #tpu.memory_space<hbm>>
      %dma_start3A_168 = tpu.memref_squeeze %dma_start3A_167 : memref<1x1x64xf32, #tpu.memory_space<hbm>> -> memref<64xf32, #tpu.memory_space<hbm>>
      tpu.enqueue_dma source(%dma_start3A_168 : memref<64xf32, #tpu.memory_space<hbm>>) target(%dma_start3A_165 : memref<64xf32, #tpu.memory_space<vmem>>) target_semaphore(%arg7 : memref<!tpu.dma_semaphore, #tpu.memory_space<semaphore_mem>>)
      %slice3A_169 = vector.extract_strided_slice %get3A_19 {offsets = [7], sizes = [1], strides = [1]} : vector<16xi32> to vector<1xi32>
      %squeeze3A_170 = vector.extract %slice3A_169[0] : i32 from vector<1xi32>
      %shift_right_logical3A_171 = arith.constant 3 : i32
      %shift_right_logical3A_172 = arith.shrui %squeeze3A_170, %shift_right_logical3A_171 : i32
      %and3A_173 = arith.constant 7 : i32
      %and3A_174 = arith.andi %squeeze3A_170, %and3A_173 : i32
      %mul3A_175 = arith.constant 16 : i32
      %mul3A_176 = arith.muli %scan3A_15, %mul3A_175 : i32
      %add3A_177 = arith.constant 7 : i32
      %add3A_178 = arith.addi %mul3A_176, %add3A_177 : i32
      %dma_start3A_179 = arith.constant 0 : i32
      %dma_start3A_180 = tpu.memref_slice %arg6[%add3A_178, %dma_start3A_179] : memref<512x64xf32, #tpu.memory_space<vmem>> -> memref<1x64xf32, #tpu.memory_space<vmem>>
      %dma_start3A_181 = tpu.memref_squeeze %dma_start3A_180 : memref<1x64xf32, #tpu.memory_space<vmem>> -> memref<64xf32, #tpu.memory_space<vmem>>
      %dma_start3A_182 = arith.constant 0 : i32
      %dma_start3A_183 = tpu.memref_slice %arg2[%shift_right_logical3A_172, %and3A_174, %dma_start3A_182] : memref<125000x8x64xf32, #tpu.memory_space<hbm>> -> memref<1x1x64xf32, #tpu.memory_space<hbm>>
      %dma_start3A_184 = tpu.memref_squeeze %dma_start3A_183 : memref<1x1x64xf32, #tpu.memory_space<hbm>> -> memref<64xf32, #tpu.memory_space<hbm>>
      %dma_start3A_185 = arith.constant 0 : i32
      %dma_start3A_186 = tpu.memref_slice %arg6[%add3A_178, %dma_start3A_185] : memref<512x64xf32, #tpu.memory_space<vmem>> -> memref<1x64xf32, #tpu.memory_space<vmem>>
      %dma_start3A_187 = tpu.memref_squeeze %dma_start3A_186 : memref<1x64xf32, #tpu.memory_space<vmem>> -> memref<64xf32, #tpu.memory_space<vmem>>
      %dma_start3A_188 = arith.constant 0 : i32
      %dma_start3A_189 = tpu.memref_slice %arg2[%shift_right_logical3A_172, %and3A_174, %dma_start3A_188] : memref<125000x8x64xf32, #tpu.memory_space<hbm>> -> memref<1x1x64xf32, #tpu.memory_space<hbm>>
      %dma_start3A_190 = tpu.memref_squeeze %dma_start3A_189 : memref<1x1x64xf32, #tpu.memory_space<hbm>> -> memref<64xf32, #tpu.memory_space<hbm>>
      tpu.enqueue_dma source(%dma_start3A_190 : memref<64xf32, #tpu.memory_space<hbm>>) target(%dma_start3A_187 : memref<64xf32, #tpu.memory_space<vmem>>) target_semaphore(%arg7 : memref<!tpu.dma_semaphore, #tpu.memory_space<semaphore_mem>>)
      %slice3A_191 = vector.extract_strided_slice %get3A_19 {offsets = [8], sizes = [1], strides = [1]} : vector<16xi32> to vector<1xi32>
      %squeeze3A_192 = vector.extract %slice3A_191[0] : i32 from vector<1xi32>
      %shift_right_logical3A_193 = arith.constant 3 : i32
      %shift_right_logical3A_194 = arith.shrui %squeeze3A_192, %shift_right_logical3A_193 : i32
      %and3A_195 = arith.constant 7 : i32
      %and3A_196 = arith.andi %squeeze3A_192, %and3A_195 : i32
      %mul3A_197 = arith.constant 16 : i32
      %mul3A_198 = arith.muli %scan3A_15, %mul3A_197 : i32
      %add3A_199 = arith.constant 8 : i32
      %add3A_200 = arith.addi %mul3A_198, %add3A_199 : i32
      %dma_start3A_201 = arith.constant 0 : i32
      %dma_start3A_202 = tpu.memref_slice %arg6[%add3A_200, %dma_start3A_201] : memref<512x64xf32, #tpu.memory_space<vmem>> -> memref<1x64xf32, #tpu.memory_space<vmem>>
      %dma_start3A_203 = tpu.memref_squeeze %dma_start3A_202 : memref<1x64xf32, #tpu.memory_space<vmem>> -> memref<64xf32, #tpu.memory_space<vmem>>
      %dma_start3A_204 = arith.constant 0 : i32
      %dma_start3A_205 = tpu.memref_slice %arg2[%shift_right_logical3A_194, %and3A_196, %dma_start3A_204] : memref<125000x8x64xf32, #tpu.memory_space<hbm>> -> memref<1x1x64xf32, #tpu.memory_space<hbm>>
      %dma_start3A_206 = tpu.memref_squeeze %dma_start3A_205 : memref<1x1x64xf32, #tpu.memory_space<hbm>> -> memref<64xf32, #tpu.memory_space<hbm>>
      %dma_start3A_207 = arith.constant 0 : i32
      %dma_start3A_208 = tpu.memref_slice %arg6[%add3A_200, %dma_start3A_207] : memref<512x64xf32, #tpu.memory_space<vmem>> -> memref<1x64xf32, #tpu.memory_space<vmem>>
      %dma_start3A_209 = tpu.memref_squeeze %dma_start3A_208 : memref<1x64xf32, #tpu.memory_space<vmem>> -> memref<64xf32, #tpu.memory_space<vmem>>
      %dma_start3A_210 = arith.constant 0 : i32
      %dma_start3A_211 = tpu.memref_slice %arg2[%shift_right_logical3A_194, %and3A_196, %dma_start3A_210] : memref<125000x8x64xf32, #tpu.memory_space<hbm>> -> memref<1x1x64xf32, #tpu.memory_space<hbm>>
      %dma_start3A_212 = tpu.memref_squeeze %dma_start3A_211 : memref<1x1x64xf32, #tpu.memory_space<hbm>> -> memref<64xf32, #tpu.memory_space<hbm>>
      tpu.enqueue_dma source(%dma_start3A_212 : memref<64xf32, #tpu.memory_space<hbm>>) target(%dma_start3A_209 : memref<64xf32, #tpu.memory_space<vmem>>) target_semaphore(%arg7 : memref<!tpu.dma_semaphore, #tpu.memory_space<semaphore_mem>>)
      %slice3A_213 = vector.extract_strided_slice %get3A_19 {offsets = [9], sizes = [1], strides = [1]} : vector<16xi32> to vector<1xi32>
      %squeeze3A_214 = vector.extract %slice3A_213[0] : i32 from vector<1xi32>
      %shift_right_logical3A_215 = arith.constant 3 : i32
      %shift_right_logical3A_216 = arith.shrui %squeeze3A_214, %shift_right_logical3A_215 : i32
      %and3A_217 = arith.constant 7 : i32
      %and3A_218 = arith.andi %squeeze3A_214, %and3A_217 : i32
      %mul3A_219 = arith.constant 16 : i32
      %mul3A_220 = arith.muli %scan3A_15, %mul3A_219 : i32
      %add3A_221 = arith.constant 9 : i32
      %add3A_222 = arith.addi %mul3A_220, %add3A_221 : i32
      %dma_start3A_223 = arith.constant 0 : i32
      %dma_start3A_224 = tpu.memref_slice %arg6[%add3A_222, %dma_start3A_223] : memref<512x64xf32, #tpu.memory_space<vmem>> -> memref<1x64xf32, #tpu.memory_space<vmem>>
      %dma_start3A_225 = tpu.memref_squeeze %dma_start3A_224 : memref<1x64xf32, #tpu.memory_space<vmem>> -> memref<64xf32, #tpu.memory_space<vmem>>
      %dma_start3A_226 = arith.constant 0 : i32
      %dma_start3A_227 = tpu.memref_slice %arg2[%shift_right_logical3A_216, %and3A_218, %dma_start3A_226] : memref<125000x8x64xf32, #tpu.memory_space<hbm>> -> memref<1x1x64xf32, #tpu.memory_space<hbm>>
      %dma_start3A_228 = tpu.memref_squeeze %dma_start3A_227 : memref<1x1x64xf32, #tpu.memory_space<hbm>> -> memref<64xf32, #tpu.memory_space<hbm>>
      %dma_start3A_229 = arith.constant 0 : i32
      %dma_start3A_230 = tpu.memref_slice %arg6[%add3A_222, %dma_start3A_229] : memref<512x64xf32, #tpu.memory_space<vmem>> -> memref<1x64xf32, #tpu.memory_space<vmem>>
      %dma_start3A_231 = tpu.memref_squeeze %dma_start3A_230 : memref<1x64xf32, #tpu.memory_space<vmem>> -> memref<64xf32, #tpu.memory_space<vmem>>
      %dma_start3A_232 = arith.constant 0 : i32
      %dma_start3A_233 = tpu.memref_slice %arg2[%shift_right_logical3A_216, %and3A_218, %dma_start3A_232] : memref<125000x8x64xf32, #tpu.memory_space<hbm>> -> memref<1x1x64xf32, #tpu.memory_space<hbm>>
      %dma_start3A_234 = tpu.memref_squeeze %dma_start3A_233 : memref<1x1x64xf32, #tpu.memory_space<hbm>> -> memref<64xf32, #tpu.memory_space<hbm>>
      tpu.enqueue_dma source(%dma_start3A_234 : memref<64xf32, #tpu.memory_space<hbm>>) target(%dma_start3A_231 : memref<64xf32, #tpu.memory_space<vmem>>) target_semaphore(%arg7 : memref<!tpu.dma_semaphore, #tpu.memory_space<semaphore_mem>>)
      %slice3A_235 = vector.extract_strided_slice %get3A_19 {offsets = [10], sizes = [1], strides = [1]} : vector<16xi32> to vector<1xi32>
      %squeeze3A_236 = vector.extract %slice3A_235[0] : i32 from vector<1xi32>
      %shift_right_logical3A_237 = arith.constant 3 : i32
      %shift_right_logical3A_238 = arith.shrui %squeeze3A_236, %shift_right_logical3A_237 : i32
      %and3A_239 = arith.constant 7 : i32
      %and3A_240 = arith.andi %squeeze3A_236, %and3A_239 : i32
      %mul3A_241 = arith.constant 16 : i32
      %mul3A_242 = arith.muli %scan3A_15, %mul3A_241 : i32
      %add3A_243 = arith.constant 10 : i32
      %add3A_244 = arith.addi %mul3A_242, %add3A_243 : i32
      %dma_start3A_245 = arith.constant 0 : i32
      %dma_start3A_246 = tpu.memref_slice %arg6[%add3A_244, %dma_start3A_245] : memref<512x64xf32, #tpu.memory_space<vmem>> -> memref<1x64xf32, #tpu.memory_space<vmem>>
      %dma_start3A_247 = tpu.memref_squeeze %dma_start3A_246 : memref<1x64xf32, #tpu.memory_space<vmem>> -> memref<64xf32, #tpu.memory_space<vmem>>
      %dma_start3A_248 = arith.constant 0 : i32
      %dma_start3A_249 = tpu.memref_slice %arg2[%shift_right_logical3A_238, %and3A_240, %dma_start3A_248] : memref<125000x8x64xf32, #tpu.memory_space<hbm>> -> memref<1x1x64xf32, #tpu.memory_space<hbm>>
      %dma_start3A_250 = tpu.memref_squeeze %dma_start3A_249 : memref<1x1x64xf32, #tpu.memory_space<hbm>> -> memref<64xf32, #tpu.memory_space<hbm>>
      %dma_start3A_251 = arith.constant 0 : i32
      %dma_start3A_252 = tpu.memref_slice %arg6[%add3A_244, %dma_start3A_251] : memref<512x64xf32, #tpu.memory_space<vmem>> -> memref<1x64xf32, #tpu.memory_space<vmem>>
      %dma_start3A_253 = tpu.memref_squeeze %dma_start3A_252 : memref<1x64xf32, #tpu.memory_space<vmem>> -> memref<64xf32, #tpu.memory_space<vmem>>
      %dma_start3A_254 = arith.constant 0 : i32
      %dma_start3A_255 = tpu.memref_slice %arg2[%shift_right_logical3A_238, %and3A_240, %dma_start3A_254] : memref<125000x8x64xf32, #tpu.memory_space<hbm>> -> memref<1x1x64xf32, #tpu.memory_space<hbm>>
      %dma_start3A_256 = tpu.memref_squeeze %dma_start3A_255 : memref<1x1x64xf32, #tpu.memory_space<hbm>> -> memref<64xf32, #tpu.memory_space<hbm>>
      tpu.enqueue_dma source(%dma_start3A_256 : memref<64xf32, #tpu.memory_space<hbm>>) target(%dma_start3A_253 : memref<64xf32, #tpu.memory_space<vmem>>) target_semaphore(%arg7 : memref<!tpu.dma_semaphore, #tpu.memory_space<semaphore_mem>>)
      %slice3A_257 = vector.extract_strided_slice %get3A_19 {offsets = [11], sizes = [1], strides = [1]} : vector<16xi32> to vector<1xi32>
      %squeeze3A_258 = vector.extract %slice3A_257[0] : i32 from vector<1xi32>
      %shift_right_logical3A_259 = arith.constant 3 : i32
      %shift_right_logical3A_260 = arith.shrui %squeeze3A_258, %shift_right_logical3A_259 : i32
      %and3A_261 = arith.constant 7 : i32
      %and3A_262 = arith.andi %squeeze3A_258, %and3A_261 : i32
      %mul3A_263 = arith.constant 16 : i32
      %mul3A_264 = arith.muli %scan3A_15, %mul3A_263 : i32
      %add3A_265 = arith.constant 11 : i32
      %add3A_266 = arith.addi %mul3A_264, %add3A_265 : i32
      %dma_start3A_267 = arith.constant 0 : i32
      %dma_start3A_268 = tpu.memref_slice %arg6[%add3A_266, %dma_start3A_267] : memref<512x64xf32, #tpu.memory_space<vmem>> -> memref<1x64xf32, #tpu.memory_space<vmem>>
      %dma_start3A_269 = tpu.memref_squeeze %dma_start3A_268 : memref<1x64xf32, #tpu.memory_space<vmem>> -> memref<64xf32, #tpu.memory_space<vmem>>
      %dma_start3A_270 = arith.constant 0 : i32
      %dma_start3A_271 = tpu.memref_slice %arg2[%shift_right_logical3A_260, %and3A_262, %dma_start3A_270] : memref<125000x8x64xf32, #tpu.memory_space<hbm>> -> memref<1x1x64xf32, #tpu.memory_space<hbm>>
      %dma_start3A_272 = tpu.memref_squeeze %dma_start3A_271 : memref<1x1x64xf32, #tpu.memory_space<hbm>> -> memref<64xf32, #tpu.memory_space<hbm>>
      %dma_start3A_273 = arith.constant 0 : i32
      %dma_start3A_274 = tpu.memref_slice %arg6[%add3A_266, %dma_start3A_273] : memref<512x64xf32, #tpu.memory_space<vmem>> -> memref<1x64xf32, #tpu.memory_space<vmem>>
      %dma_start3A_275 = tpu.memref_squeeze %dma_start3A_274 : memref<1x64xf32, #tpu.memory_space<vmem>> -> memref<64xf32, #tpu.memory_space<vmem>>
      %dma_start3A_276 = arith.constant 0 : i32
      %dma_start3A_277 = tpu.memref_slice %arg2[%shift_right_logical3A_260, %and3A_262, %dma_start3A_276] : memref<125000x8x64xf32, #tpu.memory_space<hbm>> -> memref<1x1x64xf32, #tpu.memory_space<hbm>>
      %dma_start3A_278 = tpu.memref_squeeze %dma_start3A_277 : memref<1x1x64xf32, #tpu.memory_space<hbm>> -> memref<64xf32, #tpu.memory_space<hbm>>
      tpu.enqueue_dma source(%dma_start3A_278 : memref<64xf32, #tpu.memory_space<hbm>>) target(%dma_start3A_275 : memref<64xf32, #tpu.memory_space<vmem>>) target_semaphore(%arg7 : memref<!tpu.dma_semaphore, #tpu.memory_space<semaphore_mem>>)
      %slice3A_279 = vector.extract_strided_slice %get3A_19 {offsets = [12], sizes = [1], strides = [1]} : vector<16xi32> to vector<1xi32>
      %squeeze3A_280 = vector.extract %slice3A_279[0] : i32 from vector<1xi32>
      %shift_right_logical3A_281 = arith.constant 3 : i32
      %shift_right_logical3A_282 = arith.shrui %squeeze3A_280, %shift_right_logical3A_281 : i32
      %and3A_283 = arith.constant 7 : i32
      %and3A_284 = arith.andi %squeeze3A_280, %and3A_283 : i32
      %mul3A_285 = arith.constant 16 : i32
      %mul3A_286 = arith.muli %scan3A_15, %mul3A_285 : i32
      %add3A_287 = arith.constant 12 : i32
      %add3A_288 = arith.addi %mul3A_286, %add3A_287 : i32
      %dma_start3A_289 = arith.constant 0 : i32
      %dma_start3A_290 = tpu.memref_slice %arg6[%add3A_288, %dma_start3A_289] : memref<512x64xf32, #tpu.memory_space<vmem>> -> memref<1x64xf32, #tpu.memory_space<vmem>>
      %dma_start3A_291 = tpu.memref_squeeze %dma_start3A_290 : memref<1x64xf32, #tpu.memory_space<vmem>> -> memref<64xf32, #tpu.memory_space<vmem>>
      %dma_start3A_292 = arith.constant 0 : i32
      %dma_start3A_293 = tpu.memref_slice %arg2[%shift_right_logical3A_282, %and3A_284, %dma_start3A_292] : memref<125000x8x64xf32, #tpu.memory_space<hbm>> -> memref<1x1x64xf32, #tpu.memory_space<hbm>>
      %dma_start3A_294 = tpu.memref_squeeze %dma_start3A_293 : memref<1x1x64xf32, #tpu.memory_space<hbm>> -> memref<64xf32, #tpu.memory_space<hbm>>
      %dma_start3A_295 = arith.constant 0 : i32
      %dma_start3A_296 = tpu.memref_slice %arg6[%add3A_288, %dma_start3A_295] : memref<512x64xf32, #tpu.memory_space<vmem>> -> memref<1x64xf32, #tpu.memory_space<vmem>>
      %dma_start3A_297 = tpu.memref_squeeze %dma_start3A_296 : memref<1x64xf32, #tpu.memory_space<vmem>> -> memref<64xf32, #tpu.memory_space<vmem>>
      %dma_start3A_298 = arith.constant 0 : i32
      %dma_start3A_299 = tpu.memref_slice %arg2[%shift_right_logical3A_282, %and3A_284, %dma_start3A_298] : memref<125000x8x64xf32, #tpu.memory_space<hbm>> -> memref<1x1x64xf32, #tpu.memory_space<hbm>>
      %dma_start3A_300 = tpu.memref_squeeze %dma_start3A_299 : memref<1x1x64xf32, #tpu.memory_space<hbm>> -> memref<64xf32, #tpu.memory_space<hbm>>
      tpu.enqueue_dma source(%dma_start3A_300 : memref<64xf32, #tpu.memory_space<hbm>>) target(%dma_start3A_297 : memref<64xf32, #tpu.memory_space<vmem>>) target_semaphore(%arg7 : memref<!tpu.dma_semaphore, #tpu.memory_space<semaphore_mem>>)
      %slice3A_301 = vector.extract_strided_slice %get3A_19 {offsets = [13], sizes = [1], strides = [1]} : vector<16xi32> to vector<1xi32>
      %squeeze3A_302 = vector.extract %slice3A_301[0] : i32 from vector<1xi32>
      %shift_right_logical3A_303 = arith.constant 3 : i32
      %shift_right_logical3A_304 = arith.shrui %squeeze3A_302, %shift_right_logical3A_303 : i32
      %and3A_305 = arith.constant 7 : i32
      %and3A_306 = arith.andi %squeeze3A_302, %and3A_305 : i32
      %mul3A_307 = arith.constant 16 : i32
      %mul3A_308 = arith.muli %scan3A_15, %mul3A_307 : i32
      %add3A_309 = arith.constant 13 : i32
      %add3A_310 = arith.addi %mul3A_308, %add3A_309 : i32
      %dma_start3A_311 = arith.constant 0 : i32
      %dma_start3A_312 = tpu.memref_slice %arg6[%add3A_310, %dma_start3A_311] : memref<512x64xf32, #tpu.memory_space<vmem>> -> memref<1x64xf32, #tpu.memory_space<vmem>>
      %dma_start3A_313 = tpu.memref_squeeze %dma_start3A_312 : memref<1x64xf32, #tpu.memory_space<vmem>> -> memref<64xf32, #tpu.memory_space<vmem>>
      %dma_start3A_314 = arith.constant 0 : i32
      %dma_start3A_315 = tpu.memref_slice %arg2[%shift_right_logical3A_304, %and3A_306, %dma_start3A_314] : memref<125000x8x64xf32, #tpu.memory_space<hbm>> -> memref<1x1x64xf32, #tpu.memory_space<hbm>>
      %dma_start3A_316 = tpu.memref_squeeze %dma_start3A_315 : memref<1x1x64xf32, #tpu.memory_space<hbm>> -> memref<64xf32, #tpu.memory_space<hbm>>
      %dma_start3A_317 = arith.constant 0 : i32
      %dma_start3A_318 = tpu.memref_slice %arg6[%add3A_310, %dma_start3A_317] : memref<512x64xf32, #tpu.memory_space<vmem>> -> memref<1x64xf32, #tpu.memory_space<vmem>>
      %dma_start3A_319 = tpu.memref_squeeze %dma_start3A_318 : memref<1x64xf32, #tpu.memory_space<vmem>> -> memref<64xf32, #tpu.memory_space<vmem>>
      %dma_start3A_320 = arith.constant 0 : i32
      %dma_start3A_321 = tpu.memref_slice %arg2[%shift_right_logical3A_304, %and3A_306, %dma_start3A_320] : memref<125000x8x64xf32, #tpu.memory_space<hbm>> -> memref<1x1x64xf32, #tpu.memory_space<hbm>>
      %dma_start3A_322 = tpu.memref_squeeze %dma_start3A_321 : memref<1x1x64xf32, #tpu.memory_space<hbm>> -> memref<64xf32, #tpu.memory_space<hbm>>
      tpu.enqueue_dma source(%dma_start3A_322 : memref<64xf32, #tpu.memory_space<hbm>>) target(%dma_start3A_319 : memref<64xf32, #tpu.memory_space<vmem>>) target_semaphore(%arg7 : memref<!tpu.dma_semaphore, #tpu.memory_space<semaphore_mem>>)
      %slice3A_323 = vector.extract_strided_slice %get3A_19 {offsets = [14], sizes = [1], strides = [1]} : vector<16xi32> to vector<1xi32>
      %squeeze3A_324 = vector.extract %slice3A_323[0] : i32 from vector<1xi32>
      %shift_right_logical3A_325 = arith.constant 3 : i32
      %shift_right_logical3A_326 = arith.shrui %squeeze3A_324, %shift_right_logical3A_325 : i32
      %and3A_327 = arith.constant 7 : i32
      %and3A_328 = arith.andi %squeeze3A_324, %and3A_327 : i32
      %mul3A_329 = arith.constant 16 : i32
      %mul3A_330 = arith.muli %scan3A_15, %mul3A_329 : i32
      %add3A_331 = arith.constant 14 : i32
      %add3A_332 = arith.addi %mul3A_330, %add3A_331 : i32
      %dma_start3A_333 = arith.constant 0 : i32
      %dma_start3A_334 = tpu.memref_slice %arg6[%add3A_332, %dma_start3A_333] : memref<512x64xf32, #tpu.memory_space<vmem>> -> memref<1x64xf32, #tpu.memory_space<vmem>>
      %dma_start3A_335 = tpu.memref_squeeze %dma_start3A_334 : memref<1x64xf32, #tpu.memory_space<vmem>> -> memref<64xf32, #tpu.memory_space<vmem>>
      %dma_start3A_336 = arith.constant 0 : i32
      %dma_start3A_337 = tpu.memref_slice %arg2[%shift_right_logical3A_326, %and3A_328, %dma_start3A_336] : memref<125000x8x64xf32, #tpu.memory_space<hbm>> -> memref<1x1x64xf32, #tpu.memory_space<hbm>>
      %dma_start3A_338 = tpu.memref_squeeze %dma_start3A_337 : memref<1x1x64xf32, #tpu.memory_space<hbm>> -> memref<64xf32, #tpu.memory_space<hbm>>
      %dma_start3A_339 = arith.constant 0 : i32
      %dma_start3A_340 = tpu.memref_slice %arg6[%add3A_332, %dma_start3A_339] : memref<512x64xf32, #tpu.memory_space<vmem>> -> memref<1x64xf32, #tpu.memory_space<vmem>>
      %dma_start3A_341 = tpu.memref_squeeze %dma_start3A_340 : memref<1x64xf32, #tpu.memory_space<vmem>> -> memref<64xf32, #tpu.memory_space<vmem>>
      %dma_start3A_342 = arith.constant 0 : i32
      %dma_start3A_343 = tpu.memref_slice %arg2[%shift_right_logical3A_326, %and3A_328, %dma_start3A_342] : memref<125000x8x64xf32, #tpu.memory_space<hbm>> -> memref<1x1x64xf32, #tpu.memory_space<hbm>>
      %dma_start3A_344 = tpu.memref_squeeze %dma_start3A_343 : memref<1x1x64xf32, #tpu.memory_space<hbm>> -> memref<64xf32, #tpu.memory_space<hbm>>
      tpu.enqueue_dma source(%dma_start3A_344 : memref<64xf32, #tpu.memory_space<hbm>>) target(%dma_start3A_341 : memref<64xf32, #tpu.memory_space<vmem>>) target_semaphore(%arg7 : memref<!tpu.dma_semaphore, #tpu.memory_space<semaphore_mem>>)
      %slice3A_345 = vector.extract_strided_slice %get3A_19 {offsets = [15], sizes = [1], strides = [1]} : vector<16xi32> to vector<1xi32>
      %squeeze3A_346 = vector.extract %slice3A_345[0] : i32 from vector<1xi32>
      %shift_right_logical3A_347 = arith.constant 3 : i32
      %shift_right_logical3A_348 = arith.shrui %squeeze3A_346, %shift_right_logical3A_347 : i32
      %and3A_349 = arith.constant 7 : i32
      %and3A_350 = arith.andi %squeeze3A_346, %and3A_349 : i32
      %mul3A_351 = arith.constant 16 : i32
      %mul3A_352 = arith.muli %scan3A_15, %mul3A_351 : i32
      %add3A_353 = arith.constant 15 : i32
      %add3A_354 = arith.addi %mul3A_352, %add3A_353 : i32
      %dma_start3A_355 = arith.constant 0 : i32
      %dma_start3A_356 = tpu.memref_slice %arg6[%add3A_354, %dma_start3A_355] : memref<512x64xf32, #tpu.memory_space<vmem>> -> memref<1x64xf32, #tpu.memory_space<vmem>>
      %dma_start3A_357 = tpu.memref_squeeze %dma_start3A_356 : memref<1x64xf32, #tpu.memory_space<vmem>> -> memref<64xf32, #tpu.memory_space<vmem>>
      %dma_start3A_358 = arith.constant 0 : i32
      %dma_start3A_359 = tpu.memref_slice %arg2[%shift_right_logical3A_348, %and3A_350, %dma_start3A_358] : memref<125000x8x64xf32, #tpu.memory_space<hbm>> -> memref<1x1x64xf32, #tpu.memory_space<hbm>>
      %dma_start3A_360 = tpu.memref_squeeze %dma_start3A_359 : memref<1x1x64xf32, #tpu.memory_space<hbm>> -> memref<64xf32, #tpu.memory_space<hbm>>
      %dma_start3A_361 = arith.constant 0 : i32
      %dma_start3A_362 = tpu.memref_slice %arg6[%add3A_354, %dma_start3A_361] : memref<512x64xf32, #tpu.memory_space<vmem>> -> memref<1x64xf32, #tpu.memory_space<vmem>>
      %dma_start3A_363 = tpu.memref_squeeze %dma_start3A_362 : memref<1x64xf32, #tpu.memory_space<vmem>> -> memref<64xf32, #tpu.memory_space<vmem>>
      %dma_start3A_364 = arith.constant 0 : i32
      %dma_start3A_365 = tpu.memref_slice %arg2[%shift_right_logical3A_348, %and3A_350, %dma_start3A_364] : memref<125000x8x64xf32, #tpu.memory_space<hbm>> -> memref<1x1x64xf32, #tpu.memory_space<hbm>>
      %dma_start3A_366 = tpu.memref_squeeze %dma_start3A_365 : memref<1x1x64xf32, #tpu.memory_space<hbm>> -> memref<64xf32, #tpu.memory_space<hbm>>
      tpu.enqueue_dma source(%dma_start3A_366 : memref<64xf32, #tpu.memory_space<hbm>>) target(%dma_start3A_363 : memref<64xf32, #tpu.memory_space<vmem>>) target_semaphore(%arg7 : memref<!tpu.dma_semaphore, #tpu.memory_space<semaphore_mem>>)
    }
    %scan3A_7 = arith.constant 32 : i32
    %dma_wait3A = tpu.memref_reshape %arg2 : memref<125000x8x64xf32, #tpu.memory_space<hbm>> -> memref<1000000x64xf32, #tpu.memory_space<hbm>>
    %dma_wait3A_8 = arith.constant 0 : i32
    %dma_wait3A_9 = arith.constant 0 : i32
    %dma_wait3A_10 = tpu.memref_slice %dma_wait3A[%dma_wait3A_8, %dma_wait3A_9] : memref<1000000x64xf32, #tpu.memory_space<hbm>> -> memref<512x64xf32, #tpu.memory_space<hbm>>
    %dma_wait3A_11 = tpu.memref_reshape %arg2 : memref<125000x8x64xf32, #tpu.memory_space<hbm>> -> memref<1000000x64xf32, #tpu.memory_space<hbm>>
    %dma_wait3A_12 = arith.constant 0 : i32
    %dma_wait3A_13 = arith.constant 0 : i32
    %dma_wait3A_14 = tpu.memref_slice %dma_wait3A_11[%dma_wait3A_12, %dma_wait3A_13] : memref<1000000x64xf32, #tpu.memory_space<hbm>> -> memref<512x64xf32, #tpu.memory_space<hbm>>
    tpu.wait_dma2 semaphore(%arg7 : memref<!tpu.dma_semaphore, #tpu.memory_space<semaphore_mem>>) src(%dma_wait3A_14 : memref<512x64xf32, #tpu.memory_space<hbm>>) dst(%arg6 : memref<512x64xf32, #tpu.memory_space<vmem>>)
    "tpu.region"() ({
      %run_scoped3A = tpu.sem_alloc : memref<!tpu.dma_semaphore, #tpu.memory_space<semaphore_mem>>
      %dma_start3A = arith.constant 0 : i32
      %dma_start3A_15 = tpu.memref_slice %arg4[%mul3A_2, %dma_start3A] : memref<16384x64xf32, #tpu.memory_space<hbm>> -> memref<512x64xf32, #tpu.memory_space<hbm>>
      %dma_start3A_16 = arith.constant 0 : i32
      %dma_start3A_17 = tpu.memref_slice %arg4[%mul3A_2, %dma_start3A_16] : memref<16384x64xf32, #tpu.memory_space<hbm>> -> memref<512x64xf32, #tpu.memory_space<hbm>>
      tpu.enqueue_dma source(%arg6 : memref<512x64xf32, #tpu.memory_space<vmem>>) target(%dma_start3A_17 : memref<512x64xf32, #tpu.memory_space<hbm>>) target_semaphore(%run_scoped3A : memref<!tpu.dma_semaphore, #tpu.memory_space<semaphore_mem>>)
      %dma_wait3A_18 = arith.constant 0 : i32
      %dma_wait3A_19 = tpu.memref_slice %arg4[%mul3A_2, %dma_wait3A_18] : memref<16384x64xf32, #tpu.memory_space<hbm>> -> memref<512x64xf32, #tpu.memory_space<hbm>>
      %dma_wait3A_20 = arith.constant 0 : i32
      %dma_wait3A_21 = tpu.memref_slice %arg4[%mul3A_2, %dma_wait3A_20] : memref<16384x64xf32, #tpu.memory_space<hbm>> -> memref<512x64xf32, #tpu.memory_space<hbm>>
      tpu.wait_dma2 semaphore(%run_scoped3A : memref<!tpu.dma_semaphore, #tpu.memory_space<semaphore_mem>>) src(%arg6 : memref<512x64xf32, #tpu.memory_space<vmem>>) dst(%dma_wait3A_21 : memref<512x64xf32, #tpu.memory_space<hbm>>)
      tpu.yield
    }) : () -> ()
    return
  }
}

module attributes {stable_mosaic.version = 14 : i64} {
  func.func @_mm_body(%arg0: i32, %arg1: memref<1xf32, #tpu.memory_space<smem>>, %arg2: memref<2048x64xf32, #tpu.memory_space<vmem>>, %arg3: memref<1024x64xf32, #tpu.memory_space<vmem>>, %arg4: memref<2048x1024xf32, #tpu.memory_space<vmem>>) attributes {dimension_semantics = [#tpu.dimension_semantics<arbitrary>], iteration_bounds = array<i64: 8>, scalar_prefetch = 0 : i64, scratch_operands = 0 : i64, tpu.core_type = #tpu.core_type<tc>, window_params = [{transform_indices = @transform_0, window_bounds = array<i64: 1>}, {transform_indices = @transform_1, window_bounds = array<i64: 2048, 64>}, {pipeline_mode = #tpu.pipeline_mode<synchronous>, transform_indices = @transform_2, window_bounds = array<i64: 1024, 64>}, {transform_indices = @transform_3, window_bounds = array<i64: 2048, 1024>}]} {
    %get3A = arith.constant 0 : index
    %get3A_0 = arith.constant 0 : index
    %get3A_1 = vector.load %arg2[%get3A, %get3A_0] : memref<2048x64xf32, #tpu.memory_space<vmem>>, vector<2048x64xf32>
    %get3A_2 = arith.constant 0 : index
    %get3A_3 = arith.constant 0 : index
    %get3A_4 = vector.load %arg3[%get3A_2, %get3A_3] : memref<1024x64xf32, #tpu.memory_space<vmem>>, vector<1024x64xf32>
    %dot_general3A = arith.constant dense<0.000000e+00> : vector<2048x1024xf32>
    %dot_general3A_5 = tpu.matmul %get3A_1, %get3A_4, %dot_general3A {dimension_numbers = #tpu.dot_dimension_numbers<[1], [1], [0], [0], [0, 0, 1, 0], [], []>, transpose_lhs_hint = false} : vector<2048x64xf32>, vector<1024x64xf32>, vector<2048x1024xf32> -> vector<2048x1024xf32>
    %get3A_6 = arith.constant 0 : index
    %get3A_7 = memref.load %arg1[%get3A_6] : memref<1xf32, #tpu.memory_space<smem>>
    %mul3A = vector.broadcast %get3A_7 : f32 to vector<2048x1024xf32>
    %mul3A_8 = arith.mulf %dot_general3A_5, %mul3A : vector<2048x1024xf32>
    %swap3A = arith.constant 0 : index
    %swap3A_9 = arith.constant 0 : index
    %swap3A_10 = vector.load %arg4[%swap3A, %swap3A_9] : memref<2048x1024xf32, #tpu.memory_space<vmem>>, vector<2048x1024xf32>
    tpu.vector_store %arg4[%swap3A, %swap3A_9], %mul3A_8 {strides = array<i32>} : memref<2048x1024xf32, #tpu.memory_space<vmem>>, vector<2048x1024xf32>,
    return
  }
  func.func @transform_0(%arg0: i32) -> i32 {
    %c0_i32 = arith.constant 0 : i32
    %c0_i32_0 = arith.constant 0 : i32
    return %c0_i32 : i32
  }
  func.func @transform_1(%arg0: i32) -> (i32, i32) {
    %c0_i32 = arith.constant 0 : i32
    %c0_i32_0 = arith.constant 0 : i32
    return %arg0, %c0_i32 : i32, i32
  }
  func.func @transform_2(%arg0: i32) -> (i32, i32) {
    %c0_i32 = arith.constant 0 : i32
    %c0_i32_0 = arith.constant 0 : i32
    %c0_i32_1 = arith.constant 0 : i32
    return %c0_i32, %c0_i32_0 : i32, i32
  }
  func.func @transform_3(%arg0: i32) -> (i32, i32) {
    %c0_i32 = arith.constant 0 : i32
    %c0_i32_0 = arith.constant 0 : i32
    return %arg0, %c0_i32 : i32, i32
  }
}

</mosaic_0001>

<sc_bundles>
// kernel: kernel.4.cloned.1.call-start
scs
__scs_entry_jumppad:
0x0: {  	(pc) =	sbr.rel $0x88, $3  }
0x1: {  	(tag) =	ssettag $0x0;
	lr =	simm.s32 $0x1  }
0x2: {  	[smem:$0x3F9D] =	sst lr;
	_ =	strace $0xD0000000  }
0x3: {  	_ = 	snop  }
0x4: {  	_ = 	snop  }
0x5: {  	_ = 	snop  }
0x6: {  	_ = 	snop  }
0x7: {  	_ = 	snop  }
__scs_overlays_trampoline_lowered:
0x8: {  	[smem:$0x3FAC] =	sst s0  }
0x9: {  	[smem:$0x3FAD] =	sst s1  }
0xa: {  	[smem:$0x3FAE] =	sst s2  }
0xb: {  	[smem:$0x3FAF] =	sst s3  }
0xc: {  	[smem:$0x3FB0] =	sst s4  }
0xd: {  	[smem:$0x3FB1] =	sst s5  }
0xe: {  	[smem:$0x3FB2] =	sst s6  }
0xf: {  	[smem:$0x3FB3] =	sst s7  }
0x10: {  	[smem:$0x3FB4] =	sst s8  }
0x11: {  	[smem:$0x3FB5] =	sst s9;
	s0 =	simm.s32 @!p0 $0x0  }
0x12: {  	s1 =	sld [smem:$0x3F9B];
	s0 =	simm.s32 @p0 $0x1  }
0x13: {  	[smem:$0x3FB6] =	sst s0;
	s0 =	simm.s32 @!p1 $0x0  }
0x14: {  	s2 =	sld [smem:$0x3F9A];
	s0 =	simm.s32 @p1 $0x1  }
0x15: {  	[smem:$0x3FB7] =	sst s0;
	s0 =	simm.s32 @!p2 $0x0  }
0x16: {  	s3 =	sld [smem:$0x3FDB];
	s0 =	simm.s32 @p2 $0x1  }
0x17: {  	s4 =	simm.s32 $0x1BF5;
	[smem:$0x3FB9] =	sst s0  }
0x18: {  	s0 =	sld [smem:$0x3F9C];
	_ =	swait.ge [sflag:s4], $0x0  }
0x19: {  	s7 =	sld [smem:$0x3F9D]  }
0x1a: {  	s8 =	sadd.s32 $0xFFFFE003, lr  }
0x1b: {  	s9 =	sadd.s32 $0xFFFFFEF7, lr;
	s5 =	simm.s32 $0xFFFFFFFF;
	p2 =	slt.u32 s8, $0xFFFFF086  }
0x1c: {  	p1 =	slt.u32 s9, $0xF7A;
	s5 =	simm.s32 @!p2 $0x0  }
0x1d: {  	s5 =	simm.s32 @p1 $0x1;
	p0 =	seq.s32 s7, s2  }
0x1e: {  	s7 =	smul.u32 @!p0 $0xF7A, s2;
	p2 =	seq.s32 @!p0 s5, $0x0  }
0x1f: {  	s9 =	smul.u32 $0xF7A, s1;
	s8 =	simm.s32 @!p0 $0x1BF5;
	p2 =	por !p2, p0  }
0x20: {  	[sflag:s8] =	ssyncset.s32 @!p0 $0xFFFFF086;
	s6 =	sadd.s32 @!p0 s3, s7;
	s7 =	simm.s32 @!p0 $0x108  }
0x21: {  	s3 =	sadd.s32 s3, s9;
	s6 =	sadd.s32 @!p0 $0x88, s6;
	s7 =	simm.s32 @p2 $0x1082  }
0x22: {  	[simem:s7], [sflag:s8] =	dma.local @!p0 [hbm:s6], $0xF7A  }
0x23: {  	s9 =	sor.u32 $0xD0000000, s2;
	s6 =	simm.s32 $0x108;
	_ =	swait.ge @!p0 [sflag:s8], $0x0  }
0x24: {  	s3 =	sadd.s32 $0x88, s3;
	s6 =	simm.s32 @!p1 $0x1082;
	[sflag:s4] =	ssyncset.s32 $0xFFFFF086  }
0x25: {  	[simem:s6], [sflag:s4] =	dma.local [hbm:s3], $0xF7A  }
0x26: {  	[smem:$0x3F9D] =	sst s1;
	(tag) =	ssettag s2;
	_ =	strace s9  }
0x27: {  	s1 =	sld [smem:$0x3FAD]  }
0x28: {  	s2 =	sld [smem:$0x3FAE]  }
0x29: {  	s4 =	sld [smem:$0x3FB0]  }
0x2a: {  	p0 =	seq.s32 s5, $0x0;
	s5 =	sld [smem:$0x3FB1]  }
0x2b: {  	s6 =	sld [smem:$0x3FB2]  }
0x2c: {  	s7 =	sld [smem:$0x3FB3]  }
0x2d: {  	s3 =	simm.s32 $0x108;
	s8 =	sld [smem:$0x3FB4]  }
0x2e: {  	s3 =	simm.s32 @!p0 $0x1082;
	s9 =	sld [smem:$0x3FB5]  }
0x2f: {  	lr =	sadd.s32 s0, s3;
	s0 =	sld [smem:$0x3FAC]  }
0x30: {  	s3 =	sld [smem:$0x3FAF]  }
0x31: {  	[smem:$0x3FB8] =	sst s10  }
0x32: {  	s10 =	sld [smem:$0x3FB6];
	_ =	sdelay $0x3  }
0x33: {  	p0 =	seq.s32 s10, $0x1;
	s10 =	sld [smem:$0x3FB8];
	_ =	sdelay $0x3  }
0x34: {  	[smem:$0x3FB8] =	sst s10  }
0x35: {  	s10 =	sld [smem:$0x3FB7];
	_ =	sdelay $0x3  }
0x36: {  	p1 =	seq.s32 s10, $0x1;
	s10 =	sld [smem:$0x3FB8];
	_ =	sdelay $0x3  }
0x37: {  	[smem:$0x3FB8] =	sst s10  }
0x38: {  	s10 =	sld [smem:$0x3FB9]  }
0x39: {  	_ = 	snop;
	(pc) =	sbr.ind lr, $3  }
0x3a: {  	_ = 	snop  }
0x3b: {  	_ = 	snop  }
0x3c: {  	p2 =	seq.s32 s10, $0x1;
	s10 =	sld [smem:$0x3FB8]  }
0x3d: {  	_ =	shalt  }
0x3e: {  	_ =	shalt  }
0x3f: {  	_ =	shalt  }
0x40: {  	_ =	shalt  }
0x41: {  	_ =	shalt  }
0x42: {  	_ =	shalt  }
0x43: {  	_ =	shalt  }
0x44: {  	_ =	shalt  }
0x45: {  	_ =	shalt  }
0x46: {  	_ =	shalt  }
0x47: {  	_ =	shalt  }
0x48: {  	_ =	shalt  }
0x49: {  	_ =	shalt  }
0x4a: {  	_ =	shalt  }
0x4b: {  	_ =	shalt  }
0x4c: {  	_ =	shalt  }
0x4d: {  	_ =	shalt  }
0x4e: {  	_ =	shalt  }
0x4f: {  	_ =	shalt  }
0x50: {  	_ =	shalt  }
0x51: {  	_ =	shalt  }
0x52: {  	_ =	shalt  }
0x53: {  	_ =	shalt  }
0x54: {  	_ =	shalt  }
0x55: {  	_ =	shalt  }
0x56: {  	_ =	shalt  }
0x57: {  	_ =	shalt  }
0x58: {  	_ =	shalt  }
0x59: {  	_ =	shalt  }
0x5a: {  	_ =	shalt  }
0x5b: {  	_ =	shalt  }
0x5c: {  	_ =	shalt  }
0x5d: {  	_ =	shalt  }
0x5e: {  	_ =	shalt  }
0x5f: {  	_ =	shalt  }
0x60: {  	_ =	shalt  }
0x61: {  	_ =	shalt  }
0x62: {  	_ =	shalt  }
0x63: {  	_ =	shalt  }
0x64: {  	_ =	shalt  }
0x65: {  	_ =	shalt  }
0x66: {  	_ =	shalt  }
0x67: {  	_ =	shalt  }
0x68: {  	_ =	shalt  }
0x69: {  	_ =	shalt  }
0x6a: {  	_ =	shalt  }
0x6b: {  	_ =	shalt  }
0x6c: {  	_ =	shalt  }
0x6d: {  	_ =	shalt  }
0x6e: {  	_ =	shalt  }
0x6f: {  	_ =	shalt  }
0x70: {  	_ =	shalt  }
0x71: {  	_ =	shalt  }
0x72: {  	_ =	shalt  }
0x73: {  	_ =	shalt  }
0x74: {  	_ =	shalt  }
0x75: {  	_ =	shalt  }
0x76: {  	_ =	shalt  }
0x77: {  	_ =	shalt  }
0x78: {  	_ =	shalt  }
0x79: {  	_ =	shalt  }
0x7a: {  	_ =	shalt  }
0x7b: {  	_ =	shalt  }
0x7c: {  	_ =	shalt  }
0x7d: {  	_ =	shalt  }
0x7e: {  	_ =	shalt  }
0x7f: {  	_ =	shalt  }
0x80: {  	_ =	shalt  }
0x81: {  	_ =	shalt  }
0x82: {  	_ =	shalt  }
0x83: {  	_ =	shalt  }
0x84: {  	_ =	shalt  }
0x85: {  	_ =	shalt  }
0x86: {  	_ =	shalt  }
0x87: {  	_ =	shalt  }
.Lfunc_end0:
.L_simem_size_0:
called_computation_lowered:
.L_overlay_start_0:
0x88: {  	s2 =	sld [smem:$0x3FD9]  }
0x89: {  	s3 =	sld [smem:$0x3FFE];
	_ =	sdelay $0x1  }
0x8a: {  	s1 =	srdreg.scid  }
0x8b: {  	s0 =	sand.u32 $0x1, s1  }
0x8c: {  	s17 =	sshll.u32 s0, $0xA;
	s2 =	sadd.s32 s3, s2  }
0x8d: {  	s2 =	sadd.s32 s2, s17  }
0x8e: {  	[smem:$0x3FC4] =	sst s2  }
0x8f: {  	_ = 	snop  }
0x90: {  	s2 =	sld [smem:$0x3FC9]  }
0x91: {  	s18 =	sld [smem:$0x3FD0];
	(tm) =	ssettm $0x1  }
0x92: {  	s4 =	sld [smem:$0x3FFB];
	_ =	sdelay $0x3  }
0x93: {  	_ =	strace s4  }
0x94: {  	s4 =	sld [smem:$0x3FFC];
	_ =	sdelay $0x3  }
0x95: {  	_ =	strace s4  }
0x96: {  	s4 =	sld [smem:$0x3FFD];
	_ =	sdelay $0x3  }
0x97: {  	_ =	strace s4  }
0x98: {  	_ =	strace $0x8FFFFFFF  }
0x99: {  	s19 =	sld [smem:$0x3FDB];
	_ =	sdelay $0x1  }
0x9a: {  	s5 =	simm.s32 $_scs_section_size  }
0x9b: {  	s6 =	simm.s32 $_size__tile_overlayer_lowered;
	s7 =	simm.s32 $_tile_overlayer_lowered  }
0x9c: {  	s22 =	simm.s32 $0x1BFF;
	s21 =	sshll.u32 s7, $0x1;
	s4 =	sadd.s32 s5, s19  }
0x9d: {  	s8 =	simm.s32 $0x0;
	s20 =	sshll.u32 s6, $0x1;
	s6 =	sadd.s32 s21, s4  }
0x9e: {  	[timem:s8], [sflag:s22] =	dma.local [hbm:s6], s20  }
0x9f: {  	_ =	swait.ge [sflag:s22], s20  }
0xa0: {  	s5 =	ssub.s32 $0x0, s20;
	[sflag:s22] =	ssyncset.done $0x0  }
0xa1: {  	[sflag:s22] =	ssyncadd.s32 s5;
	_ =	sdelay $0x1  }
0xa2: {  	s23 =	simm.s32 $0x1B8B  }
0xa3: {  	_ =	swait.ge [sflag:s23], $0x1  }
0xa4: {  	[sflag:s23] =	ssyncset.done $0x0  }
0xa5: {  	s25 =	simm.s32 $0x1B8E;
	s24 =	sld [smem:$0x3FFE];
	[sflag:s23] =	ssyncadd.s32 $0xFFFFFFFF  }
0xa6: {  	s26 =	simm.s32 $execute0_lowered;
	[smem:$0x3FD2] =	sst s25  }
0xa7: {  	s6 =	sshll.u32 s26, $0x1;
	_ =	strace $0x80000046;
	[dreg:$0x1] =	wrdreg $0xFFFFFFFF  }
0xa8: {  	s28 =	simm.s32 $_size_execute0_lowered;
	s4 =	sadd.s32 s4, s6;
	[dreg:$0x0] =	wrdreg $0x0  }
0xa9: {  	s6 =	sshll.u32 s28, $0x1;
	[dreg:$0x2] =	wrdreg s4  }
0xaa: {  	[dreg:$0x3] =	wrdreg s6  }
0xab: {  	[dreg:$0x4] =	wrdreg $0xC0  }
0xac: {  	_ =	task [dreg:s8], $0x5FFFF  }
0xad: {  	[dreg:$0x1] =	wrdreg $0xFFFFFFFF  }
0xae: {  	[dreg:$0x0] =	wrdreg $0x60  }
0xaf: {  	[dreg:$0x2] =	wrdreg s24  }
0xb0: {  	[dreg:$0x3] =	wrdreg s2  }
0xb1: {  	[dreg:$0x4] =	wrdreg s18  }
0xb2: {  	[dreg:$0x5] =	wrdreg $0x9  }
0xb3: {  	_ =	task.clear_ibuf [dreg:s8], $0x6FFFF;
	_ =	strace $0x90000046  }
0xb4: {  	s29 =	simm.s32 $0x9;
	_ =	strace $0x80000048  }
0xb5: {  	_ =	swait.ge [sflag:s29], $0x1  }
0xb6: {  	[sflag:s29] =	ssyncadd.s32 $0xFFFFFFFF  }
0xb7: {  	_ =	strace $0x90000048  }
0xb8: {  	_ =	sfence  }
0xb9: {  	s30 =	sld [smem:$0x0];
	_ =	sdelay $0x2  }
0xba: {  	s31 =	sshll.u32 s1, $0xD;
	s1 =	sshrl.u32 s1, $0x2  }
0xbb: {  	s3 =	sand.u32 $0x4000, s31;
	s1 =	sadd.s32 s1, s30  }
0xbc: {  	s0 =	sor.u32 s3, s0;
	s1 =	sshll.u32 s1, $0x11  }
0xbd: {  	s0 =	sor.u32 s1, s0  }
0xbe: {  	s0 =	sadd.s32 $0x8F2B, s0  }
0xbf: {  	[sflag:s0] =	ssyncadd.remote.s32 $0x1  }
0xc0: {  	_ =	sfence.sel $0xFFFF  }
0xc1: {  	[dreg:$0x0] =	wrdreg $0xFFFFFFFF;
	(pc) =	sbr.abs _section_cstart, $3  }
0xc2: {  	[dreg:$0x1] =	wrdreg $0xFFFFFFFF  }
0xc3: {  	_ =	task.clear_ibuf [dreg:s8], $0x2FFFF;
	_ =	strace $0x9FFFFFFF  }
0xc4: {  	(tm) =	ssettm $0x7FFFFFFF  }
0xc5: {  	_ =	shalt  }
tec
execute0_lowered:
.L_overlay_start_1:
0x0: {  	(tag) =	ssettag $0x1  }
0x1: {  	s3 =	rddreg [dreg:$0x0]  }
0x2: {  	s4 =	rddreg [dreg:$0x1]  }
0x3: {  	s5 =	rddreg [dreg:$0x2]  }
0x4: {  	s0 =	rddreg [dreg:$0x3];
	s6 =	srdreg.scid  }
0x5: {  	s2 =	simm.s32 $0x0;
	s1 =	stileid.u32;
	s10 =	simm.s32 $0x0  }
0x6: {  	s6 =	sand.u32 $0x1, s6;
	[smem:$0x7FF] =	sst s2;
	s7 =	sshll.u32 s1, $0xA  }
0x7: {  	s3 =	sadd.s32 $0x800, s3;
	s8 =	sshll.u32 s6, $0x9;
	s6 =	ssub.s32 $0x2, s6  }
0x8: {  	_ =	strace $0x80000047;
	s7 =	sor.u32 s8, s7;
	s31 =	sshrl.u32 s6, $0x1  }
0x9: {  	s8 =	simm.s32 $0x1;
	s9 =	sshrl.u32 s7, $0x3;
	s7 =	sshll.u32 s7, $0x4  }
0xa: {  	s6 =	ssub.s32 s6, s31;
	s4 =	sadd.s32 s4, s9;
	s5 =	sadd.s32 s5, s7  }
0xb: {  	s6 =	smax.u32 s6, $0x1;
	s7 =	simm.s32 $0x2;
	s9 =	simm.s32 $0x200  }
.LBB2_1:
0xc: {  	[tilespmem:s2], [sflag:$0x2] =	stream.linear.gather [hbm4b:s4+s2], $0x200, $0x38;
	[tilespmem:$0x10200] =	vst v63  }
0xd: {  	_ =	swait.ge [sflag:s7], $0x200  }
0xe: {  	[sflag:s7] =	ssyncset.done $0x0  }
0xf: {  	[sflag:s7] =	ssyncadd.s32 $0xFFFFFE00  }
0x10: {  	v0 =	vld [tilespmem:s2+$0x0];
	_ =	sdelay $0x4  }
0x11: {  	v0 =	vshll.u32 v0, $0x4  }
0x12: {  	(v2sf) =	vpush v0, $0x0  }
0x13: {  	(v2sf) =	vpush v0, $0x1  }
0x14: {  	(v2sf) =	vpush v0, $0x2;
	_ =	sdelay $0x1  }
0x15: {  	(v2sf) =	vpush v0, $0x4;
	_ =	sdelay $0x1  }
0x16: {  	(v2sf) =	vpush v0, $0x3  }
0x17: {  	(v2sf) =	vpush v0, $0x5  }
0x18: {  	s12 =	simm.s32 $0x2000;
	s11 =	simm.s32 $0x0;
	s13 =	simm.s32 $0x0;
	(v2sf) =	vpush v0, $0x6  }
.LBB2_2:
0x19: {  	p0 =	sne.s32 s12, $0x3E000  }
0x1a: {  	s23 =	sadd.s32 $0x280, s11;
	s17 =	sadd.s32 $0x780, s11;
	s14 =	smov.u32 s12  }
0x1b: {  	s12 =	sadd.s32 $0x2000, s12;
	s20 =	sadd.s32 $0x580, s11;
	s15 =	sadd.s32 $0x800, s11;
	(v2sf) =	vpush v0, $0x7  }
0x1c: {  	s22 =	sadd.s32 $0x480, s11;
	s19 =	sadd.s32 $0x600, s11;
	s16 =	sadd.s32 $0x880, s11  }
0x1d: {  	s24 =	sadd.s32 $0x200, s11;
	s25 =	sadd.s32 $0x400, s11;
	(v2sf) =	vpush v0, $0x8  }
0x1e: {  	s26 =	sadd.s32 $0x500, s11;
	s13 =	sadd.s32 $0x10, s13  }
0x1f: {  	s28 =	sadd.s32 $0x300, s11;
	s18 =	sadd.s32 $0x700, s11;
	s21 =	spop (v2sf);
	(v2sf) =	vpush v0, $0x9  }
0x20: {  	s29 =	sand.u32 $0x1FFFFFF0, s21;
	s21 =	sadd.s32 $0x680, s11;
	s30 =	spop (v2sf)  }
0x21: {  	s29 =	sadd.s32 s3, s29;
	s30 =	sand.u32 $0x1FFFFFF0, s30;
	s31 =	spop (v2sf);
	(v2sf) =	vpush v0, $0xA  }
0x22: {  	[tilespmem:s24], [sflag:$0x1] =	stream.linear.gather [hbm4b:s29+s2], $0x80, $0x38;
	[tilespmem:$0x10200] =	vst v63  }
0x23: {  	s24 =	sadd.s32 s3, s30;
	s29 =	sadd.s32 $0x380, s11;
	s30 =	spop (v2sf);
	(v2sf) =	vpush v0, $0xB  }
0x24: {  	[tilespmem:s23], [sflag:$0x1] =	stream.linear.gather [hbm4b:s24+s2], $0x80, $0x38;
	[tilespmem:$0x10200] =	vst v63  }
0x25: {  	s23 =	sand.u32 $0x1FFFFFF0, s31;
	s24 =	sand.u32 $0x1FFFFFF0, s30;
	s30 =	spop (v2sf);
	(v2sf) =	vpush v0, $0xC  }
0x26: {  	s23 =	sadd.s32 s3, s23;
	s30 =	sand.u32 $0x1FFFFFF0, s30;
	s31 =	spop (v2sf)  }
0x27: {  	[tilespmem:s28], [sflag:$0x1] =	stream.linear.gather [hbm4b:s23+s2], $0x80, $0x38;
	(v2sf) =	vpush v0, $0xD;
	[tilespmem:$0x10200] =	vst v63  }
0x28: {  	s23 =	sadd.s32 s3, s30;
	s28 =	sand.u32 $0x1FFFFFF0, s31;
	s30 =	spop (v2sf)  }
0x29: {  	[tilespmem:s29], [sflag:$0x1] =	stream.linear.gather [hbm4b:s23+s2], $0x80, $0x38;
	(v2sf) =	vpush v0, $0xE;
	[tilespmem:$0x10200] =	vst v63  }
0x2a: {  	s23 =	sadd.s32 s3, s24;
	s24 =	sand.u32 $0x1FFFFFF0, s30;
	s29 =	spop (v2sf)  }
0x2b: {  	[tilespmem:s25], [sflag:$0x1] =	stream.linear.gather [hbm4b:s23+s2], $0x80, $0x38;
	(v2sf) =	vpush v0, $0xF;
	[tilespmem:$0x10200] =	vst v63  }
0x2c: {  	s23 =	sadd.s32 s3, s28;
	s25 =	sand.u32 $0x1FFFFFF0, s29;
	s28 =	spop (v2sf)  }
0x2d: {  	[tilespmem:s22], [sflag:$0x1] =	stream.linear.gather [hbm4b:s23+s2], $0x80, $0x38;
	[tilespmem:$0x10200] =	vst v63  }
0x2e: {  	s22 =	sadd.s32 s3, s24;
	s23 =	sand.u32 $0x1FFFFFF0, s28;
	s24 =	spop (v2sf)  }
0x2f: {  	[tilespmem:s26], [sflag:$0x1] =	stream.linear.gather [hbm4b:s22+s2], $0x80, $0x38;
	[tilespmem:$0x10200] =	vst v63  }
0x30: {  	s22 =	sadd.s32 s3, s25;
	s24 =	sand.u32 $0x1FFFFFF0, s24;
	s25 =	spop (v2sf)  }
0x31: {  	[tilespmem:s20], [sflag:$0x1] =	stream.linear.gather [hbm4b:s22+s2], $0x80, $0x38;
	[tilespmem:$0x10200] =	vst v63  }
0x32: {  	s20 =	sadd.s32 s3, s23;
	s22 =	sand.u32 $0x1FFFFFF0, s25;
	s23 =	spop (v2sf)  }
0x33: {  	[tilespmem:s19], [sflag:$0x1] =	stream.linear.gather [hbm4b:s20+s2], $0x80, $0x38;
	[tilespmem:$0x10200] =	vst v63  }
0x34: {  	s19 =	sadd.s32 s3, s24;
	s20 =	sand.u32 $0x1FFFFFF0, s23;
	s23 =	spop (v2sf)  }
0x35: {  	[tilespmem:s21], [sflag:$0x1] =	stream.linear.gather [hbm4b:s19+s2], $0x80, $0x38;
	[tilespmem:$0x10200] =	vst v63  }
0x36: {  	s19 =	sadd.s32 s3, s22;
	s21 =	sand.u32 $0x1FFFFFF0, s23;
	s22 =	spop (v2sf)  }
0x37: {  	[tilespmem:s18], [sflag:$0x1] =	stream.linear.gather [hbm4b:s19+s2], $0x80, $0x38;
	[tilespmem:$0x10200] =	vst v63  }
0x38: {  	s18 =	sadd.s32 s3, s20;
	s19 =	sand.u32 $0x1FFFFFF0, s22;
	s20 =	spop (v2sf)  }
0x39: {  	[tilespmem:s17], [sflag:$0x1] =	stream.linear.gather [hbm4b:s18+s2], $0x80, $0x38;
	[tilespmem:$0x10200] =	vst v63  }
0x3a: {  	s17 =	sadd.s32 s3, s21;
	s18 =	sand.u32 $0x1FFFFFF0, s20;
	s20 =	spop (v2sf)  }
0x3b: {  	[tilespmem:s15], [sflag:$0x1] =	stream.linear.gather [hbm4b:s17+s2], $0x80, $0x38;
	[tilespmem:$0x10200] =	vst v63  }
0x3c: {  	s15 =	sadd.s32 s3, s19;
	s17 =	sand.u32 $0x1FFFFFF0, s20  }
0x3d: {  	[tilespmem:s16], [sflag:$0x1] =	stream.linear.gather [hbm4b:s15+s2], $0x80, $0x38;
	[tilespmem:$0x10200] =	vst v63  }
0x3e: {  	s15 =	sadd.s32 $0x900, s11;
	s16 =	sadd.s32 s3, s18  }
0x3f: {  	[tilespmem:s15], [sflag:$0x1] =	stream.linear.gather [hbm4b:s16+s2], $0x80, $0x38;
	[tilespmem:$0x10200] =	vst v63  }
0x40: {  	s11 =	sadd.s32 $0x980, s11;
	s15 =	sadd.s32 s3, s17  }
0x41: {  	[tilespmem:s11], [sflag:$0x1] =	stream.linear.gather [hbm4b:s15+s2], $0x80, $0x38;
	[tilespmem:$0x10200] =	vst v63  }
0x42: {  	v0 =	vld [tilespmem:s13+$0x0];
	_ =	sdelay $0x4  }
0x43: {  	v0 =	vshll.u32 v0, $0x4  }
0x44: {  	(v2sf) =	vpush v0, $0x0  }
0x45: {  	(v2sf) =	vpush v0, $0x1  }
0x46: {  	(v2sf) =	vpush v0, $0x2;
	_ =	sdelay $0x1  }
0x47: {  	(v2sf) =	vpush v0, $0x4  }
.Ltmp0:
0x48: {  	(pc) =	sbr.rel @p0 .LBB2_2-.Ltmp0, $3  }
0x49: {  	(v2sf) =	vpush v0, $0x3  }
0x4a: {  	(v2sf) =	vpush v0, $0x5;
	_ =	sdelay $0x1  }
0x4b: {  	s11 =	sshra.s32 s14, $0x2;
	(v2sf) =	vpush v0, $0x6  }
0x4c: {  	_ =	sdelay $0x1  }
0x4d: {  	s15 =	sadd.s32 $0x280, s11;
	s14 =	sadd.s32 $0x780, s11  }
0x4e: {  	s16 =	sadd.s32 $0x580, s11;
	s12 =	sadd.s32 $0x800, s11;
	(v2sf) =	vpush v0, $0x7;
	s17 =	sadd.s32 $0x480, s11  }
0x4f: {  	s18 =	sadd.s32 $0x600, s11;
	s13 =	sadd.s32 $0x880, s11;
	s19 =	sadd.s32 $0x200, s11  }
0x50: {  	s20 =	sadd.s32 $0x400, s11;
	s21 =	sadd.s32 $0x500, s11;
	(v2sf) =	vpush v0, $0x8;
	s22 =	spop (v2sf)  }
0x51: {  	s23 =	sadd.s32 $0x300, s11;
	s22 =	sand.u32 $0x1FFFFFF0, s22;
	s24 =	spop (v2sf)  }
0x52: {  	(v2sf) =	vpush v0, $0x9;
	s22 =	sadd.s32 s3, s22;
	s24 =	sand.u32 $0x1FFFFFF0, s24;
	s25 =	spop (v2sf)  }
0x53: {  	[tilespmem:s19], [sflag:$0x1] =	stream.linear.gather [hbm4b:s22+s2], $0x80, $0x38;
	[tilespmem:$0x10200] =	vst v63  }
0x54: {  	s26 =	sadd.s32 $0x380, s11;
	(v2sf) =	vpush v0, $0xA;
	s30 =	sadd.s32 s3, s24;
	s31 =	spop (v2sf)  }
0x55: {  	[tilespmem:s15], [sflag:$0x1] =	stream.linear.gather [hbm4b:s30+s2], $0x80, $0x38;
	[tilespmem:$0x10200] =	vst v63  }
0x56: {  	s19 =	sadd.s32 $0x700, s11;
	s28 =	sand.u32 $0x1FFFFFF0, s25;
	(v2sf) =	vpush v0, $0xB;
	s29 =	spop (v2sf)  }
0x57: {  	s22 =	sadd.s32 s3, s28;
	s15 =	sadd.s32 $0x680, s11;
	s25 =	sand.u32 $0x1FFFFFF0, s29  }
0x58: {  	(v2sf) =	vpush v0, $0xC;
	[tilespmem:s23], [sflag:$0x1] =	stream.linear.gather [hbm4b:s22+s2], $0x80, $0x38;
	[tilespmem:$0x10200] =	vst v63  }
0x59: {  	s30 =	sand.u32 $0x1FFFFFF0, s31;
	s31 =	spop (v2sf);
	s28 =	sadd.s32 s3, s25  }
0x5a: {  	(v2sf) =	vpush v0, $0xD;
	[tilespmem:s26], [sflag:$0x1] =	stream.linear.gather [hbm4b:s28+s2], $0x80, $0x38;
	[tilespmem:$0x10200] =	vst v63  }
0x5b: {  	s22 =	sadd.s32 s3, s30;
	s23 =	sand.u32 $0x1FFFFFF0, s31;
	s29 =	spop (v2sf)  }
0x5c: {  	(v2sf) =	vpush v0, $0xE;
	[tilespmem:s20], [sflag:$0x1] =	stream.linear.gather [hbm4b:s22+s2], $0x80, $0x38;
	[tilespmem:$0x10200] =	vst v63  }
0x5d: {  	s23 =	sadd.s32 s3, s23;
	s30 =	sand.u32 $0x1FFFFFF0, s29;
	s31 =	spop (v2sf)  }
0x5e: {  	(v2sf) =	vpush v0, $0xF;
	[tilespmem:s17], [sflag:$0x1] =	stream.linear.gather [hbm4b:s23+s2], $0x80, $0x38;
	[tilespmem:$0x10200] =	vst v63  }
0x5f: {  	s24 =	sand.u32 $0x1FFFFFF0, s31;
	s25 =	spop (v2sf);
	s20 =	sadd.s32 s3, s30  }
0x60: {  	[tilespmem:s21], [sflag:$0x1] =	stream.linear.gather [hbm4b:s20+s2], $0x80, $0x38;
	[tilespmem:$0x10200] =	vst v63  }
0x61: {  	s26 =	sand.u32 $0x1FFFFFF0, s25;
	s17 =	sadd.s32 s3, s24;
	s28 =	spop (v2sf)  }
0x62: {  	[tilespmem:s16], [sflag:$0x1] =	stream.linear.gather [hbm4b:s17+s2], $0x80, $0x38;
	[tilespmem:$0x10200] =	vst v63  }
0x63: {  	s20 =	sadd.s32 s3, s26;
	s29 =	sand.u32 $0x1FFFFFF0, s28;
	s30 =	spop (v2sf)  }
0x64: {  	[tilespmem:s18], [sflag:$0x1] =	stream.linear.gather [hbm4b:s20+s2], $0x80, $0x38;
	[tilespmem:$0x10200] =	vst v63  }
0x65: {  	s17 =	sand.u32 $0x1FFFFFF0, s30;
	s16 =	sadd.s32 s3, s29;
	s31 =	spop (v2sf)  }
0x66: {  	[tilespmem:s15], [sflag:$0x1] =	stream.linear.gather [hbm4b:s16+s2], $0x80, $0x38;
	[tilespmem:$0x10200] =	vst v63  }
0x67: {  	s17 =	sadd.s32 s3, s17;
	s20 =	sand.u32 $0x1FFFFFF0, s31;
	s21 =	spop (v2sf)  }
0x68: {  	[tilespmem:s19], [sflag:$0x1] =	stream.linear.gather [hbm4b:s17+s2], $0x80, $0x38;
	[tilespmem:$0x10200] =	vst v63  }
0x69: {  	s15 =	sadd.s32 s3, s20;
	s16 =	sand.u32 $0x1FFFFFF0, s21;
	s22 =	spop (v2sf)  }
0x6a: {  	[tilespmem:s14], [sflag:$0x1] =	stream.linear.gather [hbm4b:s15+s2], $0x80, $0x38;
	[tilespmem:$0x10200] =	vst v63  }
0x6b: {  	s23 =	sand.u32 $0x1FFFFFF0, s22;
	s16 =	sadd.s32 s3, s16;
	s24 =	spop (v2sf)  }
0x6c: {  	[tilespmem:s12], [sflag:$0x1] =	stream.linear.gather [hbm4b:s16+s2], $0x80, $0x38;
	[tilespmem:$0x10200] =	vst v63  }
0x6d: {  	s25 =	sand.u32 $0x1FFFFFF0, s24;
	s26 =	spop (v2sf);
	s14 =	sadd.s32 s3, s23  }
0x6e: {  	[tilespmem:s13], [sflag:$0x1] =	stream.linear.gather [hbm4b:s14+s2], $0x80, $0x38;
	[tilespmem:$0x10200] =	vst v63  }
0x6f: {  	s29 =	sadd.s32 $0x900, s11;
	s28 =	sand.u32 $0x1FFFFFF0, s26;
	s12 =	sadd.s32 s3, s25  }
0x70: {  	[tilespmem:s29], [sflag:$0x1] =	stream.linear.gather [hbm4b:s12+s2], $0x80, $0x38;
	[tilespmem:$0x10200] =	vst v63  }
0x71: {  	s30 =	sadd.s32 $0x980, s11;
	s31 =	sadd.s32 s3, s28  }
0x72: {  	[tilespmem:s30], [sflag:$0x1] =	stream.linear.gather [hbm4b:s31+s2], $0x80, $0x38;
	[tilespmem:$0x10200] =	vst v63  }
0x73: {  	s10 =	sadd.s32 $0x1, s10;
	_ =	swait.ge [sflag:s8], $0x10000  }
0x74: {  	p0 =	sne.s32 s10, s6;
	[sflag:s8] =	ssyncset.done $0x0  }
.Ltmp1:
0x75: {  	[sflag:s8] =	ssyncadd.s32 $0xFFFF0000;
	(pc) =	sbr.rel @p0 .LBB2_1-.Ltmp1, $4  }
0x76: {  	[hbm4b:s5+s2] =	stream.linear.scatter [tilespmem:s9], [sflag:$0x2], $0x10000, $0x38;
	[tilespmem:$0x10200] =	vst v63  }
0x77: {  	_ =	swait.ge [sflag:s7], $0x10000  }
0x78: {  	[sflag:s7] =	ssyncset.done $0x0  }
0x79: {  	[sflag:s7] =	ssyncadd.s32 $0xFFFF0000  }
0x7a: {  	_ =	sfence.sel $0x180000  }
0x7b: {  	[bflag:$0x0] =	sbarrier.arrive $0xFFFF  }
0x7c: {  	p0 =	sne.s32 s1, $0x0;
	_ =	strace $0x90000047  }
0x7d: {  	s0 =	sadd.s32 @!p0 $0x100000, s0;
	[bflag:$0x2] =	sbarrier.arrive $0xFFFF  }
0x7e: {  	[sflag:s0] =	ssyncadd.tile.s32 @!p0 $0x1;
	_ =	shalt  }
.Lfunc_end2:
_tile_overlayer_lowered:
.L_overlay_start_2:
0x7f: {  	(tag) =	ssettag $0x2  }
0x80: {  	s0 =	rddreg [dreg:$0x0];
	s2 =	stileid.u32  }
0x81: {  	s1 =	rddreg [dreg:$0x1];
	p0 =	sne.s32 s2, $0x0  }
0x82: {  	s3 =	rddreg [dreg:$0x2];
	[bflag:$0x3] =	sbarrier.arrive $0xFFFF;
	s2 =	simm.s32 @!p0 $0x1C02  }
0x83: {  	[timem:s3], [sflag:s2] =	dma.local @!p0 [hbm:s0], s1  }
0x84: {  	s0 =	simm.s32 @!p0 $0x2  }
0x85: {  	_ =	swait.ge @!p0 [sflag:s0], s1  }
0x86: {  	s1 =	ssub.s32 @!p0 $0x0, s1;
	[sflag:s0] =	ssyncset.done @!p0 $0x0  }
0x87: {  	[sflag:s0] =	ssyncadd.s32 @!p0 s1  }
0x88: {  	[bflag:$0x3] =	sbarrier.arrive $0xFFFF  }
0x89: {  	_ =	shalt  }

</sc_bundles>
